<compile_context>
chip_gen: v7x
topology: tpu7x:2x2x1
jax: 0.10.2.dev20260603
libtpu: 0.0.44.dev20260713+nightly
codegen_flags: <defaults>
</compile_context>

<pallas_src>
import functools

import jax
import jax.numpy as jnp
from jax import lax
from jax.experimental import pallas as pl
from jax.experimental.pallas import tpu as pltpu
from jax.experimental.pallas import tpu_sc as plsc

N = 10000
E = 320000
D = 128

_NC = 2
_NS = 16
_CHUNK = 80
_EDGES_PER_TILE = E // (_NC * _NS)
_CHUNKS_PER_TILE = _EDGES_PER_TILE // _CHUNK
_ROW_CHUNKS = N // _CHUNK


_NBUF = 4


def _sc_aggregate(src, dst, x):
    mesh = plsc.VectorSubcoreMesh(core_axis_name="c", subcore_axis_name="s")

    @functools.partial(
        pl.kernel,
        mesh=mesh,
        out_type=jax.ShapeDtypeStruct((_NC, N, D), jnp.float32),
        scratch_types=[pltpu.VMEM((_CHUNK,), jnp.int32) for _ in range(_NBUF)]
        + [pltpu.VMEM((_CHUNK,), jnp.int32) for _ in range(_NBUF)]
        + [pltpu.VMEM((_CHUNK, D), jnp.float32) for _ in range(_NBUF)]
        + [pltpu.VMEM_SHARED((N, D), jnp.float32)]
        + [pltpu.SemaphoreType.DMA for _ in range(4 * _NBUF)],
    )
    def agg_kernel(src_hbm, dst_hbm, x_hbm, out_hbm,
                   si0, si1, si2, si3, di0, di1, di2, di3,
                   r0, r1, r2, r3, acc_sh,
                   i0, i1, i2, i3, j0, j1, j2, j3,
                   g0, g1, g2, g3, s0, s1, s2, s3):
        sidx = (si0, si1, si2, si3)
        didx = (di0, di1, di2, di3)
        rows = (r0, r1, r2, r3)
        isem = (i0, i1, i2, i3)
        jsem = (j0, j1, j2, j3)
        gsem = (g0, g1, g2, g3)
        ssem = (s0, s1, s2, s3)
        c = lax.axis_index("c")
        s = lax.axis_index("s")
        base = (c * _NS + s) * _EDGES_PER_TILE

        def fire_idx(j, b):
            off = pl.multiple_of(base + j * _CHUNK, 8)
            pltpu.async_copy(src_hbm.at[pl.ds(off, _CHUNK)], sidx[b], isem[b])
            pltpu.async_copy(dst_hbm.at[pl.ds(off, _CHUNK)], didx[b], jsem[b])

        def wait_idx(b):
            pltpu.make_async_copy(src_hbm.at[pl.ds(0, _CHUNK)], sidx[b], isem[b]).wait()
            pltpu.make_async_copy(dst_hbm.at[pl.ds(0, _CHUNK)], didx[b], jsem[b]).wait()

        def fire_gather(b):
            pltpu.async_copy(x_hbm.at[sidx[b]], rows[b], gsem[b])

        def wait_gather(b):
            pltpu.make_async_copy(x_hbm.at[sidx[b]], rows[b], gsem[b]).wait()

        def scat(b):
            pltpu.async_copy(rows[b], acc_sh.at[didx[b]], ssem[b], add=True).wait()

        for b in range(_NBUF):
            fire_idx(b, b)

        zeros16 = jnp.zeros((16,), jnp.float32)

        def zero_row(i, _):
            for j in range(D // 16):
                r0[i, pl.ds(j * 16, 16)] = zeros16
            return 0

        lax.fori_loop(0, _CHUNK, zero_row, 0)

        n_row_chunks = jnp.where(s < _ROW_CHUNKS - _NS * (_ROW_CHUNKS // _NS),
                                 _ROW_CHUNKS // _NS + 1, _ROW_CHUNKS // _NS)

        def zero_chunk(k, _):
            off = pl.multiple_of((s + k * _NS) * _CHUNK, 8)
            pltpu.sync_copy(r0, acc_sh.at[pl.ds(off, _CHUNK)])
            return 0

        lax.fori_loop(0, n_row_chunks, zero_chunk, 0)
        plsc.subcore_barrier()

        for b in range(_NBUF - 1):
            wait_idx(b)
            fire_gather(b)

        def step(j, b, bg, fire_i, fire_g):
            wait_gather(b)
            scat(b)
            if fire_i:
                fire_idx(j + _NBUF, b)
            if fire_g:
                wait_idx(bg)
                fire_gather(bg)

        def body(i, _):
            for b in range(_NBUF):
                j = i * _NBUF + b
                step(j, b, (b + _NBUF - 1) % _NBUF, True, True)
            return 0

        n_main = (_CHUNKS_PER_TILE - _NBUF) // _NBUF
        lax.fori_loop(0, n_main, body, 0)

        for j in range(_NBUF * n_main, _CHUNKS_PER_TILE):
            step(j, j % _NBUF, (j + _NBUF - 1) % _NBUF,
                 j + _NBUF < _CHUNKS_PER_TILE,
                 j + _NBUF - 1 < _CHUNKS_PER_TILE)
        plsc.subcore_barrier()

        def flush_chunk(k, _):
            off = pl.multiple_of((s + k * _NS) * _CHUNK, 8)
            pltpu.sync_copy(acc_sh.at[pl.ds(off, _CHUNK)],
                            out_hbm.at[c, pl.ds(off, _CHUNK)])
            return 0

        lax.fori_loop(0, n_row_chunks, flush_chunk, 0)

    return agg_kernel(src, dst, x)


def _finish_body(p_ref, x_ref, basis_ref, comp_ref, root_ref, bias_ref, o_ref):
    agg = p_ref[0] + p_ref[1]
    w_msg = basis_ref[...] * comp_ref[0, 0]
    o_ref[...] = (
        jnp.dot(agg, w_msg, preferred_element_type=jnp.float32,
                precision=jax.lax.Precision.HIGHEST)
        + jnp.dot(x_ref[...], root_ref[...], preferred_element_type=jnp.float32,
                  precision=jax.lax.Precision.HIGHEST)
        + bias_ref[...]
    )


def _tc_finish(partials, x, basis0, comp, root, bias):
    blk = 1000
    grid = (N // blk,)
    return pl.pallas_call(
        _finish_body,
        grid=grid,
        in_specs=[
            pl.BlockSpec((_NC, blk, D), lambda i: (0, i, 0)),
            pl.BlockSpec((blk, D), lambda i: (i, 0)),
            pl.BlockSpec((D, D), lambda i: (0, 0)),
            pl.BlockSpec(memory_space=pltpu.SMEM),
            pl.BlockSpec((D, D), lambda i: (0, 0)),
            pl.BlockSpec((1, D), lambda i: (0, 0)),
        ],
        out_specs=pl.BlockSpec((blk, D), lambda i: (i, 0)),
        out_shape=jax.ShapeDtypeStruct((N, D), jnp.float32),
    )(partials, x, basis0, comp, root, bias)


def kernel(x, edge_index, basis, comp, root, bias):
    src = edge_index[0].astype(jnp.int32)
    dst = edge_index[1].astype(jnp.int32)
    partials = _sc_aggregate(src, dst, x)
    return _tc_finish(partials, x, basis[0], comp.reshape(1, 1),
                      root, bias.reshape(1, D))

# --- scband reference (transcript-rebuilt; emitter-appended) ---
"""Pipeline reference for scband-rgcnconv-with-edge-type-82781199663113 (READ-ONLY COPY).

The authoritative reference and input builder live on the scoring server;
editing this copy changes nothing except your own understanding.
"""

import jax, jax.numpy as jnp
import numpy as np

N = 10000
E = 320000
IN_DIM = 128
OUT_DIM = 128
NUM_BASES = 1
NUM_RELATIONS = 1


def setup_inputs(seed: int = 0) -> dict:
    key = jax.random.key(seed)
    k1, k2, k3, k4, k5 = jax.random.split(key, 5)
    x = jax.random.normal(k1, (N, IN_DIM), dtype=jnp.float32)
    edge_index = jax.random.randint(k2, (2, E), 0, N)
    # RGCNConv basis-decomposition parameters (num_relations=1)
    basis = jax.random.normal(k3, (NUM_BASES, IN_DIM, OUT_DIM), dtype=jnp.float32) * (1.0 / np.sqrt(IN_DIM))
    comp = jax.random.normal(k4, (NUM_RELATIONS, NUM_BASES), dtype=jnp.float32)
    root = jax.random.normal(k5, (IN_DIM, OUT_DIM), dtype=jnp.float32) * (1.0 / np.sqrt(IN_DIM))
    bias = jnp.zeros((OUT_DIM,), dtype=jnp.float32)
    return {"x": x, "edge_index": edge_index, "basis": basis, "comp": comp, "root": root, "bias": bias}


def reference(x, edge_index, basis, comp, root, bias):
    # Basis decomposition: W_r = sum_b comp[r, b] * basis[b]; num_relations=1 so all
    # edges use relation 0 (the wrapper sets edge_type = zeros).
    weight = (comp @ basis.reshape(NUM_BASES, IN_DIM * OUT_DIM)).reshape(NUM_RELATIONS, IN_DIM, OUT_DIM)
    W0 = weight[0]
    src = edge_index[0]
    dst = edge_index[1]
    # message: x_j @ W_r  (gather source features, transform)
    msg = jnp.take(x, src, axis=0) @ W0
    # aggr='add': scatter-add messages into destination nodes
    out = jax.ops.segment_sum(msg, dst, num_segments=N)
    # root/self-connection + bias
    out = out + x @ root + bias
    return out

if __name__ == "__main__":
    import jax
    _d = setup_inputs()
    print(jax.jit(kernel)(*tuple(_d.values())))

</pallas_src>

<mosaic_0001>
#map = affine_map<(d0, d1) -> (0)>
#map1 = affine_map<(d0, d1) -> (0, 0)>
#map2 = affine_map<(d0, d1) -> (0, 0, 0)>
module attributes {stable_mosaic.version = 14 : i64} {
  func.func @agg_kernel(%arg0: i32, %arg1: i32, %arg2: memref<320000xi32, #tpu.memory_space<hbm>>, %arg3: memref<320000xi32, #tpu.memory_space<hbm>>, %arg4: memref<10000x128xf32, #tpu.memory_space<hbm>>, %arg5: memref<2x10000x128xf32, #tpu.memory_space<hbm>>, %arg6: memref<80xi32, #tpu.memory_space<vmem>>, %arg7: memref<80xi32, #tpu.memory_space<vmem>>, %arg8: memref<80xi32, #tpu.memory_space<vmem>>, %arg9: memref<80xi32, #tpu.memory_space<vmem>>, %arg10: memref<80xi32, #tpu.memory_space<vmem>>, %arg11: memref<80xi32, #tpu.memory_space<vmem>>, %arg12: memref<80xi32, #tpu.memory_space<vmem>>, %arg13: memref<80xi32, #tpu.memory_space<vmem>>, %arg14: memref<80x128xf32, #tpu.memory_space<vmem>>, %arg15: memref<80x128xf32, #tpu.memory_space<vmem>>, %arg16: memref<80x128xf32, #tpu.memory_space<vmem>>, %arg17: memref<80x128xf32, #tpu.memory_space<vmem>>, %arg18: memref<10000x128xf32, #tpu.memory_space<vmem_shared>>, %arg19: memref<!tpu.dma_semaphore, #tpu.memory_space<semaphore_mem>>, %arg20: memref<!tpu.dma_semaphore, #tpu.memory_space<semaphore_mem>>, %arg21: memref<!tpu.dma_semaphore, #tpu.memory_space<semaphore_mem>>, %arg22: memref<!tpu.dma_semaphore, #tpu.memory_space<semaphore_mem>>, %arg23: memref<!tpu.dma_semaphore, #tpu.memory_space<semaphore_mem>>, %arg24: memref<!tpu.dma_semaphore, #tpu.memory_space<semaphore_mem>>, %arg25: memref<!tpu.dma_semaphore, #tpu.memory_space<semaphore_mem>>, %arg26: memref<!tpu.dma_semaphore, #tpu.memory_space<semaphore_mem>>, %arg27: memref<!tpu.dma_semaphore, #tpu.memory_space<semaphore_mem>>, %arg28: memref<!tpu.dma_semaphore, #tpu.memory_space<semaphore_mem>>, %arg29: memref<!tpu.dma_semaphore, #tpu.memory_space<semaphore_mem>>, %arg30: memref<!tpu.dma_semaphore, #tpu.memory_space<semaphore_mem>>, %arg31: memref<!tpu.dma_semaphore, #tpu.memory_space<semaphore_mem>>, %arg32: memref<!tpu.dma_semaphore, #tpu.memory_space<semaphore_mem>>, %arg33: memref<!tpu.dma_semaphore, #tpu.memory_space<semaphore_mem>>, %arg34: memref<!tpu.dma_semaphore, #tpu.memory_space<semaphore_mem>>) attributes {dimension_semantics = [#tpu.dimension_semantics<core_parallel>, #tpu.dimension_semantics<subcore_parallel>], iteration_bounds = array<i64: 2, 16>, scalar_prefetch = 0 : i64, scratch_operands = 29 : i64, tpu.core_type = #tpu.core_type<sc_vector_subcore>, window_params = [{transform_indices = #map}, {transform_indices = #map}, {transform_indices = #map1}, {transform_indices = #map2}]} {
    %mul3A = arith.constant 16 : i32
    %mul3A_0 = arith.muli %arg0, %mul3A : i32
    %add3A = arith.addi %mul3A_0, %arg1 : i32
    %mul3A_1 = arith.constant 10000 : i32
    %mul3A_2 = arith.muli %add3A, %mul3A_1 : i32
    %add3A_3 = arith.constant 0 : i32
    %add3A_4 = arith.addi %mul3A_2, %add3A_3 : i32
    %multiple_of3A = tpu.assume_multiple %add3A_4, 8 : i32
    %dma_start3A = tpu.memref_slice %arg2[%multiple_of3A] : memref<320000xi32, #tpu.memory_space<hbm>> -> memref<80xi32, #tpu.memory_space<hbm>>
    %dma_start3A_5 = tpu.memref_slice %arg2[%multiple_of3A] : memref<320000xi32, #tpu.memory_space<hbm>> -> memref<80xi32, #tpu.memory_space<hbm>>
    tpu.enqueue_dma source(%dma_start3A_5 : memref<80xi32, #tpu.memory_space<hbm>>) target(%arg6 : memref<80xi32, #tpu.memory_space<vmem>>) target_semaphore(%arg19 : memref<!tpu.dma_semaphore, #tpu.memory_space<semaphore_mem>>)
    %dma_start3A_6 = tpu.memref_slice %arg3[%multiple_of3A] : memref<320000xi32, #tpu.memory_space<hbm>> -> memref<80xi32, #tpu.memory_space<hbm>>
    %dma_start3A_7 = tpu.memref_slice %arg3[%multiple_of3A] : memref<320000xi32, #tpu.memory_space<hbm>> -> memref<80xi32, #tpu.memory_space<hbm>>
    tpu.enqueue_dma source(%dma_start3A_7 : memref<80xi32, #tpu.memory_space<hbm>>) target(%arg10 : memref<80xi32, #tpu.memory_space<vmem>>) target_semaphore(%arg23 : memref<!tpu.dma_semaphore, #tpu.memory_space<semaphore_mem>>)
    %add3A_8 = arith.constant 80 : i32
    %add3A_9 = arith.addi %mul3A_2, %add3A_8 : i32
    %multiple_of3A_10 = tpu.assume_multiple %add3A_9, 8 : i32
    %dma_start3A_11 = tpu.memref_slice %arg2[%multiple_of3A_10] : memref<320000xi32, #tpu.memory_space<hbm>> -> memref<80xi32, #tpu.memory_space<hbm>>
    %dma_start3A_12 = tpu.memref_slice %arg2[%multiple_of3A_10] : memref<320000xi32, #tpu.memory_space<hbm>> -> memref<80xi32, #tpu.memory_space<hbm>>
    tpu.enqueue_dma source(%dma_start3A_12 : memref<80xi32, #tpu.memory_space<hbm>>) target(%arg7 : memref<80xi32, #tpu.memory_space<vmem>>) target_semaphore(%arg20 : memref<!tpu.dma_semaphore, #tpu.memory_space<semaphore_mem>>)
    %dma_start3A_13 = tpu.memref_slice %arg3[%multiple_of3A_10] : memref<320000xi32, #tpu.memory_space<hbm>> -> memref<80xi32, #tpu.memory_space<hbm>>
    %dma_start3A_14 = tpu.memref_slice %arg3[%multiple_of3A_10] : memref<320000xi32, #tpu.memory_space<hbm>> -> memref<80xi32, #tpu.memory_space<hbm>>
    tpu.enqueue_dma source(%dma_start3A_14 : memref<80xi32, #tpu.memory_space<hbm>>) target(%arg11 : memref<80xi32, #tpu.memory_space<vmem>>) target_semaphore(%arg24 : memref<!tpu.dma_semaphore, #tpu.memory_space<semaphore_mem>>)
    %add3A_15 = arith.constant 160 : i32
    %add3A_16 = arith.addi %mul3A_2, %add3A_15 : i32
    %multiple_of3A_17 = tpu.assume_multiple %add3A_16, 8 : i32
    %dma_start3A_18 = tpu.memref_slice %arg2[%multiple_of3A_17] : memref<320000xi32, #tpu.memory_space<hbm>> -> memref<80xi32, #tpu.memory_space<hbm>>
    %dma_start3A_19 = tpu.memref_slice %arg2[%multiple_of3A_17] : memref<320000xi32, #tpu.memory_space<hbm>> -> memref<80xi32, #tpu.memory_space<hbm>>
    tpu.enqueue_dma source(%dma_start3A_19 : memref<80xi32, #tpu.memory_space<hbm>>) target(%arg8 : memref<80xi32, #tpu.memory_space<vmem>>) target_semaphore(%arg21 : memref<!tpu.dma_semaphore, #tpu.memory_space<semaphore_mem>>)
    %dma_start3A_20 = tpu.memref_slice %arg3[%multiple_of3A_17] : memref<320000xi32, #tpu.memory_space<hbm>> -> memref<80xi32, #tpu.memory_space<hbm>>
    %dma_start3A_21 = tpu.memref_slice %arg3[%multiple_of3A_17] : memref<320000xi32, #tpu.memory_space<hbm>> -> memref<80xi32, #tpu.memory_space<hbm>>
    tpu.enqueue_dma source(%dma_start3A_21 : memref<80xi32, #tpu.memory_space<hbm>>) target(%arg12 : memref<80xi32, #tpu.memory_space<vmem>>) target_semaphore(%arg25 : memref<!tpu.dma_semaphore, #tpu.memory_space<semaphore_mem>>)
    %add3A_22 = arith.constant 240 : i32
    %add3A_23 = arith.addi %mul3A_2, %add3A_22 : i32
    %multiple_of3A_24 = tpu.assume_multiple %add3A_23, 8 : i32
    %dma_start3A_25 = tpu.memref_slice %arg2[%multiple_of3A_24] : memref<320000xi32, #tpu.memory_space<hbm>> -> memref<80xi32, #tpu.memory_space<hbm>>
    %dma_start3A_26 = tpu.memref_slice %arg2[%multiple_of3A_24] : memref<320000xi32, #tpu.memory_space<hbm>> -> memref<80xi32, #tpu.memory_space<hbm>>
    tpu.enqueue_dma source(%dma_start3A_26 : memref<80xi32, #tpu.memory_space<hbm>>) target(%arg9 : memref<80xi32, #tpu.memory_space<vmem>>) target_semaphore(%arg22 : memref<!tpu.dma_semaphore, #tpu.memory_space<semaphore_mem>>)
    %dma_start3A_27 = tpu.memref_slice %arg3[%multiple_of3A_24] : memref<320000xi32, #tpu.memory_space<hbm>> -> memref<80xi32, #tpu.memory_space<hbm>>
    %dma_start3A_28 = tpu.memref_slice %arg3[%multiple_of3A_24] : memref<320000xi32, #tpu.memory_space<hbm>> -> memref<80xi32, #tpu.memory_space<hbm>>
    tpu.enqueue_dma source(%dma_start3A_28 : memref<80xi32, #tpu.memory_space<hbm>>) target(%arg13 : memref<80xi32, #tpu.memory_space<vmem>>) target_semaphore(%arg26 : memref<!tpu.dma_semaphore, #tpu.memory_space<semaphore_mem>>)
    %broadcast_in_dim3A = arith.constant 0.000000e+00 : f32
    %broadcast_in_dim3A_29 = vector.broadcast %broadcast_in_dim3A : f32 to vector<16xf32>
    %scan3A = arith.constant 0 : i32
    %scan3A_30 = arith.constant 0 : i32
    %scan3A_31 = arith.constant 80 : i32
    %scan3A_32 = arith.addi %scan3A_30, %scan3A_31 : i32
    %scan3A_33 = arith.constant 1 : i32
    %scan3A_34 = scf.for %scan3A_175 = %scan3A_30 to %scan3A_32 step %scan3A_33 iter_args(%scan3A_176 = %scan3A) -> (i32)  : i32 {
      %swap3A = arith.index_cast %scan3A_175 : i32 to index
      %swap3A_177 = arith.constant 0 : index
      %swap3A_178 = tpu.vector_load %arg14[%swap3A, %swap3A_177] {strides = array<i32>} : memref<80x128xf32, #tpu.memory_space<vmem>>, vector<1x16xf32>,
      %swap3A_179 = vector.shape_cast %swap3A_178 : vector<1x16xf32> to vector<16xf32>
      %swap3A_180 = vector.shape_cast %broadcast_in_dim3A_29 : vector<16xf32> to vector<1x16xf32>
      tpu.vector_store %arg14[%swap3A, %swap3A_177], %swap3A_180 {strides = array<i32>} : memref<80x128xf32, #tpu.memory_space<vmem>>, vector<1x16xf32>,
      %swap3A_181 = arith.index_cast %scan3A_175 : i32 to index
      %swap3A_182 = arith.constant 16 : index
      %swap3A_183 = tpu.vector_load %arg14[%swap3A_181, %swap3A_182] {strides = array<i32>} : memref<80x128xf32, #tpu.memory_space<vmem>>, vector<1x16xf32>,
      %swap3A_184 = vector.shape_cast %swap3A_183 : vector<1x16xf32> to vector<16xf32>
      %swap3A_185 = vector.shape_cast %broadcast_in_dim3A_29 : vector<16xf32> to vector<1x16xf32>
      tpu.vector_store %arg14[%swap3A_181, %swap3A_182], %swap3A_185 {strides = array<i32>} : memref<80x128xf32, #tpu.memory_space<vmem>>, vector<1x16xf32>,
      %swap3A_186 = arith.index_cast %scan3A_175 : i32 to index
      %swap3A_187 = arith.constant 32 : index
      %swap3A_188 = tpu.vector_load %arg14[%swap3A_186, %swap3A_187] {strides = array<i32>} : memref<80x128xf32, #tpu.memory_space<vmem>>, vector<1x16xf32>,
      %swap3A_189 = vector.shape_cast %swap3A_188 : vector<1x16xf32> to vector<16xf32>
      %swap3A_190 = vector.shape_cast %broadcast_in_dim3A_29 : vector<16xf32> to vector<1x16xf32>
      tpu.vector_store %arg14[%swap3A_186, %swap3A_187], %swap3A_190 {strides = array<i32>} : memref<80x128xf32, #tpu.memory_space<vmem>>, vector<1x16xf32>,
      %swap3A_191 = arith.index_cast %scan3A_175 : i32 to index
      %swap3A_192 = arith.constant 48 : index
      %swap3A_193 = tpu.vector_load %arg14[%swap3A_191, %swap3A_192] {strides = array<i32>} : memref<80x128xf32, #tpu.memory_space<vmem>>, vector<1x16xf32>,
      %swap3A_194 = vector.shape_cast %swap3A_193 : vector<1x16xf32> to vector<16xf32>
      %swap3A_195 = vector.shape_cast %broadcast_in_dim3A_29 : vector<16xf32> to vector<1x16xf32>
      tpu.vector_store %arg14[%swap3A_191, %swap3A_192], %swap3A_195 {strides = array<i32>} : memref<80x128xf32, #tpu.memory_space<vmem>>, vector<1x16xf32>,
      %swap3A_196 = arith.index_cast %scan3A_175 : i32 to index
      %swap3A_197 = arith.constant 64 : index
      %swap3A_198 = tpu.vector_load %arg14[%swap3A_196, %swap3A_197] {strides = array<i32>} : memref<80x128xf32, #tpu.memory_space<vmem>>, vector<1x16xf32>,
      %swap3A_199 = vector.shape_cast %swap3A_198 : vector<1x16xf32> to vector<16xf32>
      %swap3A_200 = vector.shape_cast %broadcast_in_dim3A_29 : vector<16xf32> to vector<1x16xf32>
      tpu.vector_store %arg14[%swap3A_196, %swap3A_197], %swap3A_200 {strides = array<i32>} : memref<80x128xf32, #tpu.memory_space<vmem>>, vector<1x16xf32>,
      %swap3A_201 = arith.index_cast %scan3A_175 : i32 to index
      %swap3A_202 = arith.constant 80 : index
      %swap3A_203 = tpu.vector_load %arg14[%swap3A_201, %swap3A_202] {strides = array<i32>} : memref<80x128xf32, #tpu.memory_space<vmem>>, vector<1x16xf32>,
      %swap3A_204 = vector.shape_cast %swap3A_203 : vector<1x16xf32> to vector<16xf32>
      %swap3A_205 = vector.shape_cast %broadcast_in_dim3A_29 : vector<16xf32> to vector<1x16xf32>
      tpu.vector_store %arg14[%swap3A_201, %swap3A_202], %swap3A_205 {strides = array<i32>} : memref<80x128xf32, #tpu.memory_space<vmem>>, vector<1x16xf32>,
      %swap3A_206 = arith.index_cast %scan3A_175 : i32 to index
      %swap3A_207 = arith.constant 96 : index
      %swap3A_208 = tpu.vector_load %arg14[%swap3A_206, %swap3A_207] {strides = array<i32>} : memref<80x128xf32, #tpu.memory_space<vmem>>, vector<1x16xf32>,
      %swap3A_209 = vector.shape_cast %swap3A_208 : vector<1x16xf32> to vector<16xf32>
      %swap3A_210 = vector.shape_cast %broadcast_in_dim3A_29 : vector<16xf32> to vector<1x16xf32>
      tpu.vector_store %arg14[%swap3A_206, %swap3A_207], %swap3A_210 {strides = array<i32>} : memref<80x128xf32, #tpu.memory_space<vmem>>, vector<1x16xf32>,
      %swap3A_211 = arith.index_cast %scan3A_175 : i32 to index
      %swap3A_212 = arith.constant 112 : index
      %swap3A_213 = tpu.vector_load %arg14[%swap3A_211, %swap3A_212] {strides = array<i32>} : memref<80x128xf32, #tpu.memory_space<vmem>>, vector<1x16xf32>,
      %swap3A_214 = vector.shape_cast %swap3A_213 : vector<1x16xf32> to vector<16xf32>
      %swap3A_215 = vector.shape_cast %broadcast_in_dim3A_29 : vector<16xf32> to vector<1x16xf32>
      tpu.vector_store %arg14[%swap3A_211, %swap3A_212], %swap3A_215 {strides = array<i32>} : memref<80x128xf32, #tpu.memory_space<vmem>>, vector<1x16xf32>,
      %scan3A_216 = arith.constant 0 : i32
      scf.yield %scan3A_216 : i32
    }
    %scan3A_35 = arith.constant 80 : i32
    %lt3A = arith.constant 13 : i32
    %lt3A_36 = arith.cmpi slt, %arg1, %lt3A : i32
    %jit3A = arith.constant 8 : i32
    %jit3A_37 = arith.constant 7 : i32
    %select_n3A = arith.select %lt3A_36, %jit3A, %jit3A_37 : i32
    %while3A = arith.constant 0 : i32
    %while3A_38 = arith.constant 0 : i32
    %while3A_39 = arith.subi %select_n3A, %while3A : i32
    %while3A_40 = arith.addi %while3A, %while3A_39 : i32
    %while3A_41 = arith.constant 1 : i32
    %while3A_42 = arith.divsi %while3A_39, %while3A_41 : i32
    %while3A_43 = arith.muli %while3A_42, %while3A_41 : i32
    %while3A_44 = arith.addi %while3A, %while3A_43 : i32
    %while3A_45 = arith.constant 1 : i32
    %while3A_46 = scf.for %while3A_175 = %while3A to %while3A_44 step %while3A_45 iter_args(%while3A_176 = %while3A_38) -> (i32)  : i32 {
      %mul3A_177 = arith.constant 16 : i32
      %mul3A_178 = arith.muli %while3A_175, %mul3A_177 : i32
      %add3A_179 = arith.addi %arg1, %mul3A_178 : i32
      %mul3A_180 = arith.constant 80 : i32
      %mul3A_181 = arith.muli %add3A_179, %mul3A_180 : i32
      %multiple_of3A_182 = tpu.assume_multiple %mul3A_181, 8 : i32
      "tpu.region"() ({
        %run_scoped3A = tpu.sem_alloc : memref<!tpu.dma_semaphore, #tpu.memory_space<semaphore_mem>>
        %dma_start3A_184 = arith.constant 0 : i32
        %dma_start3A_185 = tpu.memref_slice %arg18[%multiple_of3A_182, %dma_start3A_184] : memref<10000x128xf32, #tpu.memory_space<vmem_shared>> -> memref<80x128xf32, #tpu.memory_space<vmem_shared>>
        %dma_start3A_186 = arith.constant 0 : i32
        %dma_start3A_187 = tpu.memref_slice %arg18[%multiple_of3A_182, %dma_start3A_186] : memref<10000x128xf32, #tpu.memory_space<vmem_shared>> -> memref<80x128xf32, #tpu.memory_space<vmem_shared>>
        tpu.enqueue_dma source(%arg14 : memref<80x128xf32, #tpu.memory_space<vmem>>) target(%dma_start3A_187 : memref<80x128xf32, #tpu.memory_space<vmem_shared>>) target_semaphore(%run_scoped3A : memref<!tpu.dma_semaphore, #tpu.memory_space<semaphore_mem>>)
        %dma_wait3A_188 = arith.constant 0 : i32
        %dma_wait3A_189 = tpu.memref_slice %arg18[%multiple_of3A_182, %dma_wait3A_188] : memref<10000x128xf32, #tpu.memory_space<vmem_shared>> -> memref<80x128xf32, #tpu.memory_space<vmem_shared>>
        %dma_wait3A_190 = arith.constant 0 : i32
        %dma_wait3A_191 = tpu.memref_slice %arg18[%multiple_of3A_182, %dma_wait3A_190] : memref<10000x128xf32, #tpu.memory_space<vmem_shared>> -> memref<80x128xf32, #tpu.memory_space<vmem_shared>>
        tpu.wait_dma2 semaphore(%run_scoped3A : memref<!tpu.dma_semaphore, #tpu.memory_space<semaphore_mem>>) src(%arg14 : memref<80x128xf32, #tpu.memory_space<vmem>>) dst(%dma_wait3A_191 : memref<80x128xf32, #tpu.memory_space<vmem_shared>>)
        tpu.yield
      }) : () -> ()
      %while3A_183 = arith.constant 0 : i32
      scf.yield %while3A_183 : i32
    }
    %while3A_47 = arith.constant 1 : i32
    %while3A_48 = scf.for %while3A_175 = %while3A_44 to %while3A_40 step %while3A_47 iter_args(%while3A_176 = %while3A_46) -> (i32)  : i32 {
      %mul3A_177 = arith.constant 16 : i32
      %mul3A_178 = arith.muli %while3A_175, %mul3A_177 : i32
      %add3A_179 = arith.addi %arg1, %mul3A_178 : i32
      %mul3A_180 = arith.constant 80 : i32
      %mul3A_181 = arith.muli %add3A_179, %mul3A_180 : i32
      %multiple_of3A_182 = tpu.assume_multiple %mul3A_181, 8 : i32
      "tpu.region"() ({
        %run_scoped3A = tpu.sem_alloc : memref<!tpu.dma_semaphore, #tpu.memory_space<semaphore_mem>>
        %dma_start3A_184 = arith.constant 0 : i32
        %dma_start3A_185 = tpu.memref_slice %arg18[%multiple_of3A_182, %dma_start3A_184] : memref<10000x128xf32, #tpu.memory_space<vmem_shared>> -> memref<80x128xf32, #tpu.memory_space<vmem_shared>>
        %dma_start3A_186 = arith.constant 0 : i32
        %dma_start3A_187 = tpu.memref_slice %arg18[%multiple_of3A_182, %dma_start3A_186] : memref<10000x128xf32, #tpu.memory_space<vmem_shared>> -> memref<80x128xf32, #tpu.memory_space<vmem_shared>>
        tpu.enqueue_dma source(%arg14 : memref<80x128xf32, #tpu.memory_space<vmem>>) target(%dma_start3A_187 : memref<80x128xf32, #tpu.memory_space<vmem_shared>>) target_semaphore(%run_scoped3A : memref<!tpu.dma_semaphore, #tpu.memory_space<semaphore_mem>>)
        %dma_wait3A_188 = arith.constant 0 : i32
        %dma_wait3A_189 = tpu.memref_slice %arg18[%multiple_of3A_182, %dma_wait3A_188] : memref<10000x128xf32, #tpu.memory_space<vmem_shared>> -> memref<80x128xf32, #tpu.memory_space<vmem_shared>>
        %dma_wait3A_190 = arith.constant 0 : i32
        %dma_wait3A_191 = tpu.memref_slice %arg18[%multiple_of3A_182, %dma_wait3A_190] : memref<10000x128xf32, #tpu.memory_space<vmem_shared>> -> memref<80x128xf32, #tpu.memory_space<vmem_shared>>
        tpu.wait_dma2 semaphore(%run_scoped3A : memref<!tpu.dma_semaphore, #tpu.memory_space<semaphore_mem>>) src(%arg14 : memref<80x128xf32, #tpu.memory_space<vmem>>) dst(%dma_wait3A_191 : memref<80x128xf32, #tpu.memory_space<vmem_shared>>)
        tpu.yield
      }) : () -> ()
      %while3A_183 = arith.constant 0 : i32
      scf.yield %while3A_183 : i32
    }
    %barrier3A = arith.constant 0 : index
    tpu.barrier barrier_id(%barrier3A)
    %dma_wait3A = arith.constant 0 : i32
    %dma_wait3A_49 = tpu.memref_slice %arg2[%dma_wait3A] : memref<320000xi32, #tpu.memory_space<hbm>> -> memref<80xi32, #tpu.memory_space<hbm>>
    %dma_wait3A_50 = arith.constant 0 : i32
    %dma_wait3A_51 = tpu.memref_slice %arg2[%dma_wait3A_50] : memref<320000xi32, #tpu.memory_space<hbm>> -> memref<80xi32, #tpu.memory_space<hbm>>
    tpu.wait_dma2 semaphore(%arg19 : memref<!tpu.dma_semaphore, #tpu.memory_space<semaphore_mem>>) src(%dma_wait3A_51 : memref<80xi32, #tpu.memory_space<hbm>>) dst(%arg6 : memref<80xi32, #tpu.memory_space<vmem>>)
    %dma_wait3A_52 = arith.constant 0 : i32
    %dma_wait3A_53 = tpu.memref_slice %arg3[%dma_wait3A_52] : memref<320000xi32, #tpu.memory_space<hbm>> -> memref<80xi32, #tpu.memory_space<hbm>>
    %dma_wait3A_54 = arith.constant 0 : i32
    %dma_wait3A_55 = tpu.memref_slice %arg3[%dma_wait3A_54] : memref<320000xi32, #tpu.memory_space<hbm>> -> memref<80xi32, #tpu.memory_space<hbm>>
    tpu.wait_dma2 semaphore(%arg23 : memref<!tpu.dma_semaphore, #tpu.memory_space<semaphore_mem>>) src(%dma_wait3A_55 : memref<80xi32, #tpu.memory_space<hbm>>) dst(%arg10 : memref<80xi32, #tpu.memory_space<vmem>>)
    %dma_start3A_56 = arith.constant 0 : i32
    %dma_start3A_57 = arith.constant 0 : i32
    %dma_start3A_58 = tpu.memref_slice %arg4[%dma_start3A_56, %dma_start3A_57] : memref<10000x128xf32, #tpu.memory_space<hbm>> -> memref<10000x128xf32, #tpu.memory_space<hbm>>
    tpu.enqueue_indirect_dma source(%dma_start3A_58 : memref<10000x128xf32, #tpu.memory_space<hbm>>) target(%arg14 : memref<80x128xf32, #tpu.memory_space<vmem>>) offsets(%arg6 : memref<80xi32, #tpu.memory_space<vmem>>) semaphore(%arg27 : memref<!tpu.dma_semaphore, #tpu.memory_space<semaphore_mem>>)
    %dma_wait3A_59 = arith.constant 0 : i32
    %dma_wait3A_60 = tpu.memref_slice %arg2[%dma_wait3A_59] : memref<320000xi32, #tpu.memory_space<hbm>> -> memref<80xi32, #tpu.memory_space<hbm>>
    %dma_wait3A_61 = arith.constant 0 : i32
    %dma_wait3A_62 = tpu.memref_slice %arg2[%dma_wait3A_61] : memref<320000xi32, #tpu.memory_space<hbm>> -> memref<80xi32, #tpu.memory_space<hbm>>
    tpu.wait_dma2 semaphore(%arg20 : memref<!tpu.dma_semaphore, #tpu.memory_space<semaphore_mem>>) src(%dma_wait3A_62 : memref<80xi32, #tpu.memory_space<hbm>>) dst(%arg7 : memref<80xi32, #tpu.memory_space<vmem>>)
    %dma_wait3A_63 = arith.constant 0 : i32
    %dma_wait3A_64 = tpu.memref_slice %arg3[%dma_wait3A_63] : memref<320000xi32, #tpu.memory_space<hbm>> -> memref<80xi32, #tpu.memory_space<hbm>>
    %dma_wait3A_65 = arith.constant 0 : i32
    %dma_wait3A_66 = tpu.memref_slice %arg3[%dma_wait3A_65] : memref<320000xi32, #tpu.memory_space<hbm>> -> memref<80xi32, #tpu.memory_space<hbm>>
    tpu.wait_dma2 semaphore(%arg24 : memref<!tpu.dma_semaphore, #tpu.memory_space<semaphore_mem>>) src(%dma_wait3A_66 : memref<80xi32, #tpu.memory_space<hbm>>) dst(%arg11 : memref<80xi32, #tpu.memory_space<vmem>>)
    %dma_start3A_67 = arith.constant 0 : i32
    %dma_start3A_68 = arith.constant 0 : i32
    %dma_start3A_69 = tpu.memref_slice %arg4[%dma_start3A_67, %dma_start3A_68] : memref<10000x128xf32, #tpu.memory_space<hbm>> -> memref<10000x128xf32, #tpu.memory_space<hbm>>
    tpu.enqueue_indirect_dma source(%dma_start3A_69 : memref<10000x128xf32, #tpu.memory_space<hbm>>) target(%arg15 : memref<80x128xf32, #tpu.memory_space<vmem>>) offsets(%arg7 : memref<80xi32, #tpu.memory_space<vmem>>) semaphore(%arg28 : memref<!tpu.dma_semaphore, #tpu.memory_space<semaphore_mem>>)
    %dma_wait3A_70 = arith.constant 0 : i32
    %dma_wait3A_71 = tpu.memref_slice %arg2[%dma_wait3A_70] : memref<320000xi32, #tpu.memory_space<hbm>> -> memref<80xi32, #tpu.memory_space<hbm>>
    %dma_wait3A_72 = arith.constant 0 : i32
    %dma_wait3A_73 = tpu.memref_slice %arg2[%dma_wait3A_72] : memref<320000xi32, #tpu.memory_space<hbm>> -> memref<80xi32, #tpu.memory_space<hbm>>
    tpu.wait_dma2 semaphore(%arg21 : memref<!tpu.dma_semaphore, #tpu.memory_space<semaphore_mem>>) src(%dma_wait3A_73 : memref<80xi32, #tpu.memory_space<hbm>>) dst(%arg8 : memref<80xi32, #tpu.memory_space<vmem>>)
    %dma_wait3A_74 = arith.constant 0 : i32
    %dma_wait3A_75 = tpu.memref_slice %arg3[%dma_wait3A_74] : memref<320000xi32, #tpu.memory_space<hbm>> -> memref<80xi32, #tpu.memory_space<hbm>>
    %dma_wait3A_76 = arith.constant 0 : i32
    %dma_wait3A_77 = tpu.memref_slice %arg3[%dma_wait3A_76] : memref<320000xi32, #tpu.memory_space<hbm>> -> memref<80xi32, #tpu.memory_space<hbm>>
    tpu.wait_dma2 semaphore(%arg25 : memref<!tpu.dma_semaphore, #tpu.memory_space<semaphore_mem>>) src(%dma_wait3A_77 : memref<80xi32, #tpu.memory_space<hbm>>) dst(%arg12 : memref<80xi32, #tpu.memory_space<vmem>>)
    %dma_start3A_78 = arith.constant 0 : i32
    %dma_start3A_79 = arith.constant 0 : i32
    %dma_start3A_80 = tpu.memref_slice %arg4[%dma_start3A_78, %dma_start3A_79] : memref<10000x128xf32, #tpu.memory_space<hbm>> -> memref<10000x128xf32, #tpu.memory_space<hbm>>
    tpu.enqueue_indirect_dma source(%dma_start3A_80 : memref<10000x128xf32, #tpu.memory_space<hbm>>) target(%arg16 : memref<80x128xf32, #tpu.memory_space<vmem>>) offsets(%arg8 : memref<80xi32, #tpu.memory_space<vmem>>) semaphore(%arg29 : memref<!tpu.dma_semaphore, #tpu.memory_space<semaphore_mem>>)
    %scan3A_81 = arith.constant 0 : i32
    %scan3A_82 = arith.constant 0 : i32
    %scan3A_83 = arith.constant 30 : i32
    %scan3A_84 = arith.addi %scan3A_82, %scan3A_83 : i32
    %scan3A_85 = arith.constant 1 : i32
    %scan3A_86 = scf.for %scan3A_175 = %scan3A_82 to %scan3A_84 step %scan3A_85 iter_args(%scan3A_176 = %scan3A_81) -> (i32)  : i32 {
      %mul3A_177 = arith.constant 4 : i32
      %mul3A_178 = arith.muli %scan3A_175, %mul3A_177 : i32
      %add3A_179 = arith.constant 0 : i32
      %add3A_180 = arith.addi %mul3A_178, %add3A_179 : i32
      %dma_wait3A_181 = arith.constant 0 : i32
      %dma_wait3A_182 = arith.constant 0 : i32
      %dma_wait3A_183 = tpu.memref_slice %arg4[%dma_wait3A_181, %dma_wait3A_182] : memref<10000x128xf32, #tpu.memory_space<hbm>> -> memref<10000x128xf32, #tpu.memory_space<hbm>>
      tpu.wait_indirect_dma semaphore(%arg27 : memref<!tpu.dma_semaphore, #tpu.memory_space<semaphore_mem>>) src(%dma_wait3A_183 : memref<10000x128xf32, #tpu.memory_space<hbm>>) dst(%arg14 : memref<80x128xf32, #tpu.memory_space<vmem>>)
      %dma_start3A_184 = arith.constant 0 : i32
      %dma_start3A_185 = arith.constant 0 : i32
      %dma_start3A_186 = tpu.memref_slice %arg18[%dma_start3A_184, %dma_start3A_185] : memref<10000x128xf32, #tpu.memory_space<vmem_shared>> -> memref<10000x128xf32, #tpu.memory_space<vmem_shared>>
      tpu.enqueue_indirect_dma source(%arg14 : memref<80x128xf32, #tpu.memory_space<vmem>>) target(%dma_start3A_186 : memref<10000x128xf32, #tpu.memory_space<vmem_shared>>) offsets(%arg10 : memref<80xi32, #tpu.memory_space<vmem>>) semaphore(%arg31 : memref<!tpu.dma_semaphore, #tpu.memory_space<semaphore_mem>>) {add = true}
      %dma_wait3A_187 = arith.constant 0 : i32
      %dma_wait3A_188 = arith.constant 0 : i32
      %dma_wait3A_189 = tpu.memref_slice %arg18[%dma_wait3A_187, %dma_wait3A_188] : memref<10000x128xf32, #tpu.memory_space<vmem_shared>> -> memref<10000x128xf32, #tpu.memory_space<vmem_shared>>
      tpu.wait_indirect_dma semaphore(%arg31 : memref<!tpu.dma_semaphore, #tpu.memory_space<semaphore_mem>>) src(%arg14 : memref<80x128xf32, #tpu.memory_space<vmem>>) dst(%dma_wait3A_189 : memref<10000x128xf32, #tpu.memory_space<vmem_shared>>)
      %add3A_190 = arith.constant 4 : i32
      %add3A_191 = arith.addi %add3A_180, %add3A_190 : i32
      %mul3A_192 = arith.constant 80 : i32
      %mul3A_193 = arith.muli %add3A_191, %mul3A_192 : i32
      %add3A_194 = arith.addi %mul3A_2, %mul3A_193 : i32
      %multiple_of3A_195 = tpu.assume_multiple %add3A_194, 8 : i32
      %dma_start3A_196 = tpu.memref_slice %arg2[%multiple_of3A_195] : memref<320000xi32, #tpu.memory_space<hbm>> -> memref<80xi32, #tpu.memory_space<hbm>>
      %dma_start3A_197 = tpu.memref_slice %arg2[%multiple_of3A_195] : memref<320000xi32, #tpu.memory_space<hbm>> -> memref<80xi32, #tpu.memory_space<hbm>>
      tpu.enqueue_dma source(%dma_start3A_197 : memref<80xi32, #tpu.memory_space<hbm>>) target(%arg6 : memref<80xi32, #tpu.memory_space<vmem>>) target_semaphore(%arg19 : memref<!tpu.dma_semaphore, #tpu.memory_space<semaphore_mem>>)
      %dma_start3A_198 = tpu.memref_slice %arg3[%multiple_of3A_195] : memref<320000xi32, #tpu.memory_space<hbm>> -> memref<80xi32, #tpu.memory_space<hbm>>
      %dma_start3A_199 = tpu.memref_slice %arg3[%multiple_of3A_195] : memref<320000xi32, #tpu.memory_space<hbm>> -> memref<80xi32, #tpu.memory_space<hbm>>
      tpu.enqueue_dma source(%dma_start3A_199 : memref<80xi32, #tpu.memory_space<hbm>>) target(%arg10 : memref<80xi32, #tpu.memory_space<vmem>>) target_semaphore(%arg23 : memref<!tpu.dma_semaphore, #tpu.memory_space<semaphore_mem>>)
      %dma_wait3A_200 = arith.constant 0 : i32
      %dma_wait3A_201 = tpu.memref_slice %arg2[%dma_wait3A_200] : memref<320000xi32, #tpu.memory_space<hbm>> -> memref<80xi32, #tpu.memory_space<hbm>>
      %dma_wait3A_202 = arith.constant 0 : i32
      %dma_wait3A_203 = tpu.memref_slice %arg2[%dma_wait3A_202] : memref<320000xi32, #tpu.memory_space<hbm>> -> memref<80xi32, #tpu.memory_space<hbm>>
      tpu.wait_dma2 semaphore(%arg22 : memref<!tpu.dma_semaphore, #tpu.memory_space<semaphore_mem>>) src(%dma_wait3A_203 : memref<80xi32, #tpu.memory_space<hbm>>) dst(%arg9 : memref<80xi32, #tpu.memory_space<vmem>>)
      %dma_wait3A_204 = arith.constant 0 : i32
      %dma_wait3A_205 = tpu.memref_slice %arg3[%dma_wait3A_204] : memref<320000xi32, #tpu.memory_space<hbm>> -> memref<80xi32, #tpu.memory_space<hbm>>
      %dma_wait3A_206 = arith.constant 0 : i32
      %dma_wait3A_207 = tpu.memref_slice %arg3[%dma_wait3A_206] : memref<320000xi32, #tpu.memory_space<hbm>> -> memref<80xi32, #tpu.memory_space<hbm>>
      tpu.wait_dma2 semaphore(%arg26 : memref<!tpu.dma_semaphore, #tpu.memory_space<semaphore_mem>>) src(%dma_wait3A_207 : memref<80xi32, #tpu.memory_space<hbm>>) dst(%arg13 : memref<80xi32, #tpu.memory_space<vmem>>)
      %dma_start3A_208 = arith.constant 0 : i32
      %dma_start3A_209 = arith.constant 0 : i32
      %dma_start3A_210 = tpu.memref_slice %arg4[%dma_start3A_208, %dma_start3A_209] : memref<10000x128xf32, #tpu.memory_space<hbm>> -> memref<10000x128xf32, #tpu.memory_space<hbm>>
      tpu.enqueue_indirect_dma source(%dma_start3A_210 : memref<10000x128xf32, #tpu.memory_space<hbm>>) target(%arg17 : memref<80x128xf32, #tpu.memory_space<vmem>>) offsets(%arg9 : memref<80xi32, #tpu.memory_space<vmem>>) semaphore(%arg30 : memref<!tpu.dma_semaphore, #tpu.memory_space<semaphore_mem>>)
      %mul3A_211 = arith.constant 4 : i32
      %mul3A_212 = arith.muli %scan3A_175, %mul3A_211 : i32
      %add3A_213 = arith.constant 1 : i32
      %add3A_214 = arith.addi %mul3A_212, %add3A_213 : i32
      %dma_wait3A_215 = arith.constant 0 : i32
      %dma_wait3A_216 = arith.constant 0 : i32
      %dma_wait3A_217 = tpu.memref_slice %arg4[%dma_wait3A_215, %dma_wait3A_216] : memref<10000x128xf32, #tpu.memory_space<hbm>> -> memref<10000x128xf32, #tpu.memory_space<hbm>>
      tpu.wait_indirect_dma semaphore(%arg28 : memref<!tpu.dma_semaphore, #tpu.memory_space<semaphore_mem>>) src(%dma_wait3A_217 : memref<10000x128xf32, #tpu.memory_space<hbm>>) dst(%arg15 : memref<80x128xf32, #tpu.memory_space<vmem>>)
      %dma_start3A_218 = arith.constant 0 : i32
      %dma_start3A_219 = arith.constant 0 : i32
      %dma_start3A_220 = tpu.memref_slice %arg18[%dma_start3A_218, %dma_start3A_219] : memref<10000x128xf32, #tpu.memory_space<vmem_shared>> -> memref<10000x128xf32, #tpu.memory_space<vmem_shared>>
      tpu.enqueue_indirect_dma source(%arg15 : memref<80x128xf32, #tpu.memory_space<vmem>>) target(%dma_start3A_220 : memref<10000x128xf32, #tpu.memory_space<vmem_shared>>) offsets(%arg11 : memref<80xi32, #tpu.memory_space<vmem>>) semaphore(%arg32 : memref<!tpu.dma_semaphore, #tpu.memory_space<semaphore_mem>>) {add = true}
      %dma_wait3A_221 = arith.constant 0 : i32
      %dma_wait3A_222 = arith.constant 0 : i32
      %dma_wait3A_223 = tpu.memref_slice %arg18[%dma_wait3A_221, %dma_wait3A_222] : memref<10000x128xf32, #tpu.memory_space<vmem_shared>> -> memref<10000x128xf32, #tpu.memory_space<vmem_shared>>
      tpu.wait_indirect_dma semaphore(%arg32 : memref<!tpu.dma_semaphore, #tpu.memory_space<semaphore_mem>>) src(%arg15 : memref<80x128xf32, #tpu.memory_space<vmem>>) dst(%dma_wait3A_223 : memref<10000x128xf32, #tpu.memory_space<vmem_shared>>)
      %add3A_224 = arith.constant 4 : i32
      %add3A_225 = arith.addi %add3A_214, %add3A_224 : i32
      %mul3A_226 = arith.constant 80 : i32
      %mul3A_227 = arith.muli %add3A_225, %mul3A_226 : i32
      %add3A_228 = arith.addi %mul3A_2, %mul3A_227 : i32
      %multiple_of3A_229 = tpu.assume_multiple %add3A_228, 8 : i32
      %dma_start3A_230 = tpu.memref_slice %arg2[%multiple_of3A_229] : memref<320000xi32, #tpu.memory_space<hbm>> -> memref<80xi32, #tpu.memory_space<hbm>>
      %dma_start3A_231 = tpu.memref_slice %arg2[%multiple_of3A_229] : memref<320000xi32, #tpu.memory_space<hbm>> -> memref<80xi32, #tpu.memory_space<hbm>>
      tpu.enqueue_dma source(%dma_start3A_231 : memref<80xi32, #tpu.memory_space<hbm>>) target(%arg7 : memref<80xi32, #tpu.memory_space<vmem>>) target_semaphore(%arg20 : memref<!tpu.dma_semaphore, #tpu.memory_space<semaphore_mem>>)
      %dma_start3A_232 = tpu.memref_slice %arg3[%multiple_of3A_229] : memref<320000xi32, #tpu.memory_space<hbm>> -> memref<80xi32, #tpu.memory_space<hbm>>
      %dma_start3A_233 = tpu.memref_slice %arg3[%multiple_of3A_229] : memref<320000xi32, #tpu.memory_space<hbm>> -> memref<80xi32, #tpu.memory_space<hbm>>
      tpu.enqueue_dma source(%dma_start3A_233 : memref<80xi32, #tpu.memory_space<hbm>>) target(%arg11 : memref<80xi32, #tpu.memory_space<vmem>>) target_semaphore(%arg24 : memref<!tpu.dma_semaphore, #tpu.memory_space<semaphore_mem>>)
      %dma_wait3A_234 = arith.constant 0 : i32
      %dma_wait3A_235 = tpu.memref_slice %arg2[%dma_wait3A_234] : memref<320000xi32, #tpu.memory_space<hbm>> -> memref<80xi32, #tpu.memory_space<hbm>>
      %dma_wait3A_236 = arith.constant 0 : i32
      %dma_wait3A_237 = tpu.memref_slice %arg2[%dma_wait3A_236] : memref<320000xi32, #tpu.memory_space<hbm>> -> memref<80xi32, #tpu.memory_space<hbm>>
      tpu.wait_dma2 semaphore(%arg19 : memref<!tpu.dma_semaphore, #tpu.memory_space<semaphore_mem>>) src(%dma_wait3A_237 : memref<80xi32, #tpu.memory_space<hbm>>) dst(%arg6 : memref<80xi32, #tpu.memory_space<vmem>>)
      %dma_wait3A_238 = arith.constant 0 : i32
      %dma_wait3A_239 = tpu.memref_slice %arg3[%dma_wait3A_238] : memref<320000xi32, #tpu.memory_space<hbm>> -> memref<80xi32, #tpu.memory_space<hbm>>
      %dma_wait3A_240 = arith.constant 0 : i32
      %dma_wait3A_241 = tpu.memref_slice %arg3[%dma_wait3A_240] : memref<320000xi32, #tpu.memory_space<hbm>> -> memref<80xi32, #tpu.memory_space<hbm>>
      tpu.wait_dma2 semaphore(%arg23 : memref<!tpu.dma_semaphore, #tpu.memory_space<semaphore_mem>>) src(%dma_wait3A_241 : memref<80xi32, #tpu.memory_space<hbm>>) dst(%arg10 : memref<80xi32, #tpu.memory_space<vmem>>)
      %dma_start3A_242 = arith.constant 0 : i32
      %dma_start3A_243 = arith.constant 0 : i32
      %dma_start3A_244 = tpu.memref_slice %arg4[%dma_start3A_242, %dma_start3A_243] : memref<10000x128xf32, #tpu.memory_space<hbm>> -> memref<10000x128xf32, #tpu.memory_space<hbm>>
      tpu.enqueue_indirect_dma source(%dma_start3A_244 : memref<10000x128xf32, #tpu.memory_space<hbm>>) target(%arg14 : memref<80x128xf32, #tpu.memory_space<vmem>>) offsets(%arg6 : memref<80xi32, #tpu.memory_space<vmem>>) semaphore(%arg27 : memref<!tpu.dma_semaphore, #tpu.memory_space<semaphore_mem>>)
      %mul3A_245 = arith.constant 4 : i32
      %mul3A_246 = arith.muli %scan3A_175, %mul3A_245 : i32
      %add3A_247 = arith.constant 2 : i32
      %add3A_248 = arith.addi %mul3A_246, %add3A_247 : i32
      %dma_wait3A_249 = arith.constant 0 : i32
      %dma_wait3A_250 = arith.constant 0 : i32
      %dma_wait3A_251 = tpu.memref_slice %arg4[%dma_wait3A_249, %dma_wait3A_250] : memref<10000x128xf32, #tpu.memory_space<hbm>> -> memref<10000x128xf32, #tpu.memory_space<hbm>>
      tpu.wait_indirect_dma semaphore(%arg29 : memref<!tpu.dma_semaphore, #tpu.memory_space<semaphore_mem>>) src(%dma_wait3A_251 : memref<10000x128xf32, #tpu.memory_space<hbm>>) dst(%arg16 : memref<80x128xf32, #tpu.memory_space<vmem>>)
      %dma_start3A_252 = arith.constant 0 : i32
      %dma_start3A_253 = arith.constant 0 : i32
      %dma_start3A_254 = tpu.memref_slice %arg18[%dma_start3A_252, %dma_start3A_253] : memref<10000x128xf32, #tpu.memory_space<vmem_shared>> -> memref<10000x128xf32, #tpu.memory_space<vmem_shared>>
      tpu.enqueue_indirect_dma source(%arg16 : memref<80x128xf32, #tpu.memory_space<vmem>>) target(%dma_start3A_254 : memref<10000x128xf32, #tpu.memory_space<vmem_shared>>) offsets(%arg12 : memref<80xi32, #tpu.memory_space<vmem>>) semaphore(%arg33 : memref<!tpu.dma_semaphore, #tpu.memory_space<semaphore_mem>>) {add = true}
      %dma_wait3A_255 = arith.constant 0 : i32
      %dma_wait3A_256 = arith.constant 0 : i32
      %dma_wait3A_257 = tpu.memref_slice %arg18[%dma_wait3A_255, %dma_wait3A_256] : memref<10000x128xf32, #tpu.memory_space<vmem_shared>> -> memref<10000x128xf32, #tpu.memory_space<vmem_shared>>
      tpu.wait_indirect_dma semaphore(%arg33 : memref<!tpu.dma_semaphore, #tpu.memory_space<semaphore_mem>>) src(%arg16 : memref<80x128xf32, #tpu.memory_space<vmem>>) dst(%dma_wait3A_257 : memref<10000x128xf32, #tpu.memory_space<vmem_shared>>)
      %add3A_258 = arith.constant 4 : i32
      %add3A_259 = arith.addi %add3A_248, %add3A_258 : i32
      %mul3A_260 = arith.constant 80 : i32
      %mul3A_261 = arith.muli %add3A_259, %mul3A_260 : i32
      %add3A_262 = arith.addi %mul3A_2, %mul3A_261 : i32
      %multiple_of3A_263 = tpu.assume_multiple %add3A_262, 8 : i32
      %dma_start3A_264 = tpu.memref_slice %arg2[%multiple_of3A_263] : memref<320000xi32, #tpu.memory_space<hbm>> -> memref<80xi32, #tpu.memory_space<hbm>>
      %dma_start3A_265 = tpu.memref_slice %arg2[%multiple_of3A_263] : memref<320000xi32, #tpu.memory_space<hbm>> -> memref<80xi32, #tpu.memory_space<hbm>>
      tpu.enqueue_dma source(%dma_start3A_265 : memref<80xi32, #tpu.memory_space<hbm>>) target(%arg8 : memref<80xi32, #tpu.memory_space<vmem>>) target_semaphore(%arg21 : memref<!tpu.dma_semaphore, #tpu.memory_space<semaphore_mem>>)
      %dma_start3A_266 = tpu.memref_slice %arg3[%multiple_of3A_263] : memref<320000xi32, #tpu.memory_space<hbm>> -> memref<80xi32, #tpu.memory_space<hbm>>
      %dma_start3A_267 = tpu.memref_slice %arg3[%multiple_of3A_263] : memref<320000xi32, #tpu.memory_space<hbm>> -> memref<80xi32, #tpu.memory_space<hbm>>
      tpu.enqueue_dma source(%dma_start3A_267 : memref<80xi32, #tpu.memory_space<hbm>>) target(%arg12 : memref<80xi32, #tpu.memory_space<vmem>>) target_semaphore(%arg25 : memref<!tpu.dma_semaphore, #tpu.memory_space<semaphore_mem>>)
      %dma_wait3A_268 = arith.constant 0 : i32
      %dma_wait3A_269 = tpu.memref_slice %arg2[%dma_wait3A_268] : memref<320000xi32, #tpu.memory_space<hbm>> -> memref<80xi32, #tpu.memory_space<hbm>>
      %dma_wait3A_270 = arith.constant 0 : i32
      %dma_wait3A_271 = tpu.memref_slice %arg2[%dma_wait3A_270] : memref<320000xi32, #tpu.memory_space<hbm>> -> memref<80xi32, #tpu.memory_space<hbm>>
      tpu.wait_dma2 semaphore(%arg20 : memref<!tpu.dma_semaphore, #tpu.memory_space<semaphore_mem>>) src(%dma_wait3A_271 : memref<80xi32, #tpu.memory_space<hbm>>) dst(%arg7 : memref<80xi32, #tpu.memory_space<vmem>>)
      %dma_wait3A_272 = arith.constant 0 : i32
      %dma_wait3A_273 = tpu.memref_slice %arg3[%dma_wait3A_272] : memref<320000xi32, #tpu.memory_space<hbm>> -> memref<80xi32, #tpu.memory_space<hbm>>
      %dma_wait3A_274 = arith.constant 0 : i32
      %dma_wait3A_275 = tpu.memref_slice %arg3[%dma_wait3A_274] : memref<320000xi32, #tpu.memory_space<hbm>> -> memref<80xi32, #tpu.memory_space<hbm>>
      tpu.wait_dma2 semaphore(%arg24 : memref<!tpu.dma_semaphore, #tpu.memory_space<semaphore_mem>>) src(%dma_wait3A_275 : memref<80xi32, #tpu.memory_space<hbm>>) dst(%arg11 : memref<80xi32, #tpu.memory_space<vmem>>)
      %dma_start3A_276 = arith.constant 0 : i32
      %dma_start3A_277 = arith.constant 0 : i32
      %dma_start3A_278 = tpu.memref_slice %arg4[%dma_start3A_276, %dma_start3A_277] : memref<10000x128xf32, #tpu.memory_space<hbm>> -> memref<10000x128xf32, #tpu.memory_space<hbm>>
      tpu.enqueue_indirect_dma source(%dma_start3A_278 : memref<10000x128xf32, #tpu.memory_space<hbm>>) target(%arg15 : memref<80x128xf32, #tpu.memory_space<vmem>>) offsets(%arg7 : memref<80xi32, #tpu.memory_space<vmem>>) semaphore(%arg28 : memref<!tpu.dma_semaphore, #tpu.memory_space<semaphore_mem>>)
      %mul3A_279 = arith.constant 4 : i32
      %mul3A_280 = arith.muli %scan3A_175, %mul3A_279 : i32
      %add3A_281 = arith.constant 3 : i32
      %add3A_282 = arith.addi %mul3A_280, %add3A_281 : i32
      %dma_wait3A_283 = arith.constant 0 : i32
      %dma_wait3A_284 = arith.constant 0 : i32
      %dma_wait3A_285 = tpu.memref_slice %arg4[%dma_wait3A_283, %dma_wait3A_284] : memref<10000x128xf32, #tpu.memory_space<hbm>> -> memref<10000x128xf32, #tpu.memory_space<hbm>>
      tpu.wait_indirect_dma semaphore(%arg30 : memref<!tpu.dma_semaphore, #tpu.memory_space<semaphore_mem>>) src(%dma_wait3A_285 : memref<10000x128xf32, #tpu.memory_space<hbm>>) dst(%arg17 : memref<80x128xf32, #tpu.memory_space<vmem>>)
      %dma_start3A_286 = arith.constant 0 : i32
      %dma_start3A_287 = arith.constant 0 : i32
      %dma_start3A_288 = tpu.memref_slice %arg18[%dma_start3A_286, %dma_start3A_287] : memref<10000x128xf32, #tpu.memory_space<vmem_shared>> -> memref<10000x128xf32, #tpu.memory_space<vmem_shared>>
      tpu.enqueue_indirect_dma source(%arg17 : memref<80x128xf32, #tpu.memory_space<vmem>>) target(%dma_start3A_288 : memref<10000x128xf32, #tpu.memory_space<vmem_shared>>) offsets(%arg13 : memref<80xi32, #tpu.memory_space<vmem>>) semaphore(%arg34 : memref<!tpu.dma_semaphore, #tpu.memory_space<semaphore_mem>>) {add = true}
      %dma_wait3A_289 = arith.constant 0 : i32
      %dma_wait3A_290 = arith.constant 0 : i32
      %dma_wait3A_291 = tpu.memref_slice %arg18[%dma_wait3A_289, %dma_wait3A_290] : memref<10000x128xf32, #tpu.memory_space<vmem_shared>> -> memref<10000x128xf32, #tpu.memory_space<vmem_shared>>
      tpu.wait_indirect_dma semaphore(%arg34 : memref<!tpu.dma_semaphore, #tpu.memory_space<semaphore_mem>>) src(%arg17 : memref<80x128xf32, #tpu.memory_space<vmem>>) dst(%dma_wait3A_291 : memref<10000x128xf32, #tpu.memory_space<vmem_shared>>)
      %add3A_292 = arith.constant 4 : i32
      %add3A_293 = arith.addi %add3A_282, %add3A_292 : i32
      %mul3A_294 = arith.constant 80 : i32
      %mul3A_295 = arith.muli %add3A_293, %mul3A_294 : i32
      %add3A_296 = arith.addi %mul3A_2, %mul3A_295 : i32
      %multiple_of3A_297 = tpu.assume_multiple %add3A_296, 8 : i32
      %dma_start3A_298 = tpu.memref_slice %arg2[%multiple_of3A_297] : memref<320000xi32, #tpu.memory_space<hbm>> -> memref<80xi32, #tpu.memory_space<hbm>>
      %dma_start3A_299 = tpu.memref_slice %arg2[%multiple_of3A_297] : memref<320000xi32, #tpu.memory_space<hbm>> -> memref<80xi32, #tpu.memory_space<hbm>>
      tpu.enqueue_dma source(%dma_start3A_299 : memref<80xi32, #tpu.memory_space<hbm>>) target(%arg9 : memref<80xi32, #tpu.memory_space<vmem>>) target_semaphore(%arg22 : memref<!tpu.dma_semaphore, #tpu.memory_space<semaphore_mem>>)
      %dma_start3A_300 = tpu.memref_slice %arg3[%multiple_of3A_297] : memref<320000xi32, #tpu.memory_space<hbm>> -> memref<80xi32, #tpu.memory_space<hbm>>
      %dma_start3A_301 = tpu.memref_slice %arg3[%multiple_of3A_297] : memref<320000xi32, #tpu.memory_space<hbm>> -> memref<80xi32, #tpu.memory_space<hbm>>
      tpu.enqueue_dma source(%dma_start3A_301 : memref<80xi32, #tpu.memory_space<hbm>>) target(%arg13 : memref<80xi32, #tpu.memory_space<vmem>>) target_semaphore(%arg26 : memref<!tpu.dma_semaphore, #tpu.memory_space<semaphore_mem>>)
      %dma_wait3A_302 = arith.constant 0 : i32
      %dma_wait3A_303 = tpu.memref_slice %arg2[%dma_wait3A_302] : memref<320000xi32, #tpu.memory_space<hbm>> -> memref<80xi32, #tpu.memory_space<hbm>>
      %dma_wait3A_304 = arith.constant 0 : i32
      %dma_wait3A_305 = tpu.memref_slice %arg2[%dma_wait3A_304] : memref<320000xi32, #tpu.memory_space<hbm>> -> memref<80xi32, #tpu.memory_space<hbm>>
      tpu.wait_dma2 semaphore(%arg21 : memref<!tpu.dma_semaphore, #tpu.memory_space<semaphore_mem>>) src(%dma_wait3A_305 : memref<80xi32, #tpu.memory_space<hbm>>) dst(%arg8 : memref<80xi32, #tpu.memory_space<vmem>>)
      %dma_wait3A_306 = arith.constant 0 : i32
      %dma_wait3A_307 = tpu.memref_slice %arg3[%dma_wait3A_306] : memref<320000xi32, #tpu.memory_space<hbm>> -> memref<80xi32, #tpu.memory_space<hbm>>
      %dma_wait3A_308 = arith.constant 0 : i32
      %dma_wait3A_309 = tpu.memref_slice %arg3[%dma_wait3A_308] : memref<320000xi32, #tpu.memory_space<hbm>> -> memref<80xi32, #tpu.memory_space<hbm>>
      tpu.wait_dma2 semaphore(%arg25 : memref<!tpu.dma_semaphore, #tpu.memory_space<semaphore_mem>>) src(%dma_wait3A_309 : memref<80xi32, #tpu.memory_space<hbm>>) dst(%arg12 : memref<80xi32, #tpu.memory_space<vmem>>)
      %dma_start3A_310 = arith.constant 0 : i32
      %dma_start3A_311 = arith.constant 0 : i32
      %dma_start3A_312 = tpu.memref_slice %arg4[%dma_start3A_310, %dma_start3A_311] : memref<10000x128xf32, #tpu.memory_space<hbm>> -> memref<10000x128xf32, #tpu.memory_space<hbm>>
      tpu.enqueue_indirect_dma source(%dma_start3A_312 : memref<10000x128xf32, #tpu.memory_space<hbm>>) target(%arg16 : memref<80x128xf32, #tpu.memory_space<vmem>>) offsets(%arg8 : memref<80xi32, #tpu.memory_space<vmem>>) semaphore(%arg29 : memref<!tpu.dma_semaphore, #tpu.memory_space<semaphore_mem>>)
      %scan3A_313 = arith.constant 0 : i32
      scf.yield %scan3A_313 : i32
    }
    %scan3A_87 = arith.constant 30 : i32
    %dma_wait3A_88 = arith.constant 0 : i32
    %dma_wait3A_89 = arith.constant 0 : i32
    %dma_wait3A_90 = tpu.memref_slice %arg4[%dma_wait3A_88, %dma_wait3A_89] : memref<10000x128xf32, #tpu.memory_space<hbm>> -> memref<10000x128xf32, #tpu.memory_space<hbm>>
    tpu.wait_indirect_dma semaphore(%arg27 : memref<!tpu.dma_semaphore, #tpu.memory_space<semaphore_mem>>) src(%dma_wait3A_90 : memref<10000x128xf32, #tpu.memory_space<hbm>>) dst(%arg14 : memref<80x128xf32, #tpu.memory_space<vmem>>)
    %dma_start3A_91 = arith.constant 0 : i32
    %dma_start3A_92 = arith.constant 0 : i32
    %dma_start3A_93 = tpu.memref_slice %arg18[%dma_start3A_91, %dma_start3A_92] : memref<10000x128xf32, #tpu.memory_space<vmem_shared>> -> memref<10000x128xf32, #tpu.memory_space<vmem_shared>>
    tpu.enqueue_indirect_dma source(%arg14 : memref<80x128xf32, #tpu.memory_space<vmem>>) target(%dma_start3A_93 : memref<10000x128xf32, #tpu.memory_space<vmem_shared>>) offsets(%arg10 : memref<80xi32, #tpu.memory_space<vmem>>) semaphore(%arg31 : memref<!tpu.dma_semaphore, #tpu.memory_space<semaphore_mem>>) {add = true}
    %dma_wait3A_94 = arith.constant 0 : i32
    %dma_wait3A_95 = arith.constant 0 : i32
    %dma_wait3A_96 = tpu.memref_slice %arg18[%dma_wait3A_94, %dma_wait3A_95] : memref<10000x128xf32, #tpu.memory_space<vmem_shared>> -> memref<10000x128xf32, #tpu.memory_space<vmem_shared>>
    tpu.wait_indirect_dma semaphore(%arg31 : memref<!tpu.dma_semaphore, #tpu.memory_space<semaphore_mem>>) src(%arg14 : memref<80x128xf32, #tpu.memory_space<vmem>>) dst(%dma_wait3A_96 : memref<10000x128xf32, #tpu.memory_space<vmem_shared>>)
    %add3A_97 = arith.constant 9920 : i32
    %add3A_98 = arith.addi %mul3A_2, %add3A_97 : i32
    %multiple_of3A_99 = tpu.assume_multiple %add3A_98, 8 : i32
    %dma_start3A_100 = tpu.memref_slice %arg2[%multiple_of3A_99] : memref<320000xi32, #tpu.memory_space<hbm>> -> memref<80xi32, #tpu.memory_space<hbm>>
    %dma_start3A_101 = tpu.memref_slice %arg2[%multiple_of3A_99] : memref<320000xi32, #tpu.memory_space<hbm>> -> memref<80xi32, #tpu.memory_space<hbm>>
    tpu.enqueue_dma source(%dma_start3A_101 : memref<80xi32, #tpu.memory_space<hbm>>) target(%arg6 : memref<80xi32, #tpu.memory_space<vmem>>) target_semaphore(%arg19 : memref<!tpu.dma_semaphore, #tpu.memory_space<semaphore_mem>>)
    %dma_start3A_102 = tpu.memref_slice %arg3[%multiple_of3A_99] : memref<320000xi32, #tpu.memory_space<hbm>> -> memref<80xi32, #tpu.memory_space<hbm>>
    %dma_start3A_103 = tpu.memref_slice %arg3[%multiple_of3A_99] : memref<320000xi32, #tpu.memory_space<hbm>> -> memref<80xi32, #tpu.memory_space<hbm>>
    tpu.enqueue_dma source(%dma_start3A_103 : memref<80xi32, #tpu.memory_space<hbm>>) target(%arg10 : memref<80xi32, #tpu.memory_space<vmem>>) target_semaphore(%arg23 : memref<!tpu.dma_semaphore, #tpu.memory_space<semaphore_mem>>)
    %dma_wait3A_104 = arith.constant 0 : i32
    %dma_wait3A_105 = tpu.memref_slice %arg2[%dma_wait3A_104] : memref<320000xi32, #tpu.memory_space<hbm>> -> memref<80xi32, #tpu.memory_space<hbm>>
    %dma_wait3A_106 = arith.constant 0 : i32
    %dma_wait3A_107 = tpu.memref_slice %arg2[%dma_wait3A_106] : memref<320000xi32, #tpu.memory_space<hbm>> -> memref<80xi32, #tpu.memory_space<hbm>>
    tpu.wait_dma2 semaphore(%arg22 : memref<!tpu.dma_semaphore, #tpu.memory_space<semaphore_mem>>) src(%dma_wait3A_107 : memref<80xi32, #tpu.memory_space<hbm>>) dst(%arg9 : memref<80xi32, #tpu.memory_space<vmem>>)
    %dma_wait3A_108 = arith.constant 0 : i32
    %dma_wait3A_109 = tpu.memref_slice %arg3[%dma_wait3A_108] : memref<320000xi32, #tpu.memory_space<hbm>> -> memref<80xi32, #tpu.memory_space<hbm>>
    %dma_wait3A_110 = arith.constant 0 : i32
    %dma_wait3A_111 = tpu.memref_slice %arg3[%dma_wait3A_110] : memref<320000xi32, #tpu.memory_space<hbm>> -> memref<80xi32, #tpu.memory_space<hbm>>
    tpu.wait_dma2 semaphore(%arg26 : memref<!tpu.dma_semaphore, #tpu.memory_space<semaphore_mem>>) src(%dma_wait3A_111 : memref<80xi32, #tpu.memory_space<hbm>>) dst(%arg13 : memref<80xi32, #tpu.memory_space<vmem>>)
    %dma_start3A_112 = arith.constant 0 : i32
    %dma_start3A_113 = arith.constant 0 : i32
    %dma_start3A_114 = tpu.memref_slice %arg4[%dma_start3A_112, %dma_start3A_113] : memref<10000x128xf32, #tpu.memory_space<hbm>> -> memref<10000x128xf32, #tpu.memory_space<hbm>>
    tpu.enqueue_indirect_dma source(%dma_start3A_114 : memref<10000x128xf32, #tpu.memory_space<hbm>>) target(%arg17 : memref<80x128xf32, #tpu.memory_space<vmem>>) offsets(%arg9 : memref<80xi32, #tpu.memory_space<vmem>>) semaphore(%arg30 : memref<!tpu.dma_semaphore, #tpu.memory_space<semaphore_mem>>)
    %dma_wait3A_115 = arith.constant 0 : i32
    %dma_wait3A_116 = arith.constant 0 : i32
    %dma_wait3A_117 = tpu.memref_slice %arg4[%dma_wait3A_115, %dma_wait3A_116] : memref<10000x128xf32, #tpu.memory_space<hbm>> -> memref<10000x128xf32, #tpu.memory_space<hbm>>
    tpu.wait_indirect_dma semaphore(%arg28 : memref<!tpu.dma_semaphore, #tpu.memory_space<semaphore_mem>>) src(%dma_wait3A_117 : memref<10000x128xf32, #tpu.memory_space<hbm>>) dst(%arg15 : memref<80x128xf32, #tpu.memory_space<vmem>>)
    %dma_start3A_118 = arith.constant 0 : i32
    %dma_start3A_119 = arith.constant 0 : i32
    %dma_start3A_120 = tpu.memref_slice %arg18[%dma_start3A_118, %dma_start3A_119] : memref<10000x128xf32, #tpu.memory_space<vmem_shared>> -> memref<10000x128xf32, #tpu.memory_space<vmem_shared>>
    tpu.enqueue_indirect_dma source(%arg15 : memref<80x128xf32, #tpu.memory_space<vmem>>) target(%dma_start3A_120 : memref<10000x128xf32, #tpu.memory_space<vmem_shared>>) offsets(%arg11 : memref<80xi32, #tpu.memory_space<vmem>>) semaphore(%arg32 : memref<!tpu.dma_semaphore, #tpu.memory_space<semaphore_mem>>) {add = true}
    %dma_wait3A_121 = arith.constant 0 : i32
    %dma_wait3A_122 = arith.constant 0 : i32
    %dma_wait3A_123 = tpu.memref_slice %arg18[%dma_wait3A_121, %dma_wait3A_122] : memref<10000x128xf32, #tpu.memory_space<vmem_shared>> -> memref<10000x128xf32, #tpu.memory_space<vmem_shared>>
    tpu.wait_indirect_dma semaphore(%arg32 : memref<!tpu.dma_semaphore, #tpu.memory_space<semaphore_mem>>) src(%arg15 : memref<80x128xf32, #tpu.memory_space<vmem>>) dst(%dma_wait3A_123 : memref<10000x128xf32, #tpu.memory_space<vmem_shared>>)
    %dma_wait3A_124 = arith.constant 0 : i32
    %dma_wait3A_125 = tpu.memref_slice %arg2[%dma_wait3A_124] : memref<320000xi32, #tpu.memory_space<hbm>> -> memref<80xi32, #tpu.memory_space<hbm>>
    %dma_wait3A_126 = arith.constant 0 : i32
    %dma_wait3A_127 = tpu.memref_slice %arg2[%dma_wait3A_126] : memref<320000xi32, #tpu.memory_space<hbm>> -> memref<80xi32, #tpu.memory_space<hbm>>
    tpu.wait_dma2 semaphore(%arg19 : memref<!tpu.dma_semaphore, #tpu.memory_space<semaphore_mem>>) src(%dma_wait3A_127 : memref<80xi32, #tpu.memory_space<hbm>>) dst(%arg6 : memref<80xi32, #tpu.memory_space<vmem>>)
    %dma_wait3A_128 = arith.constant 0 : i32
    %dma_wait3A_129 = tpu.memref_slice %arg3[%dma_wait3A_128] : memref<320000xi32, #tpu.memory_space<hbm>> -> memref<80xi32, #tpu.memory_space<hbm>>
    %dma_wait3A_130 = arith.constant 0 : i32
    %dma_wait3A_131 = tpu.memref_slice %arg3[%dma_wait3A_130] : memref<320000xi32, #tpu.memory_space<hbm>> -> memref<80xi32, #tpu.memory_space<hbm>>
    tpu.wait_dma2 semaphore(%arg23 : memref<!tpu.dma_semaphore, #tpu.memory_space<semaphore_mem>>) src(%dma_wait3A_131 : memref<80xi32, #tpu.memory_space<hbm>>) dst(%arg10 : memref<80xi32, #tpu.memory_space<vmem>>)
    %dma_start3A_132 = arith.constant 0 : i32
    %dma_start3A_133 = arith.constant 0 : i32
    %dma_start3A_134 = tpu.memref_slice %arg4[%dma_start3A_132, %dma_start3A_133] : memref<10000x128xf32, #tpu.memory_space<hbm>> -> memref<10000x128xf32, #tpu.memory_space<hbm>>
    tpu.enqueue_indirect_dma source(%dma_start3A_134 : memref<10000x128xf32, #tpu.memory_space<hbm>>) target(%arg14 : memref<80x128xf32, #tpu.memory_space<vmem>>) offsets(%arg6 : memref<80xi32, #tpu.memory_space<vmem>>) semaphore(%arg27 : memref<!tpu.dma_semaphore, #tpu.memory_space<semaphore_mem>>)
    %dma_wait3A_135 = arith.constant 0 : i32
    %dma_wait3A_136 = arith.constant 0 : i32
    %dma_wait3A_137 = tpu.memref_slice %arg4[%dma_wait3A_135, %dma_wait3A_136] : memref<10000x128xf32, #tpu.memory_space<hbm>> -> memref<10000x128xf32, #tpu.memory_space<hbm>>
    tpu.wait_indirect_dma semaphore(%arg29 : memref<!tpu.dma_semaphore, #tpu.memory_space<semaphore_mem>>) src(%dma_wait3A_137 : memref<10000x128xf32, #tpu.memory_space<hbm>>) dst(%arg16 : memref<80x128xf32, #tpu.memory_space<vmem>>)
    %dma_start3A_138 = arith.constant 0 : i32
    %dma_start3A_139 = arith.constant 0 : i32
    %dma_start3A_140 = tpu.memref_slice %arg18[%dma_start3A_138, %dma_start3A_139] : memref<10000x128xf32, #tpu.memory_space<vmem_shared>> -> memref<10000x128xf32, #tpu.memory_space<vmem_shared>>
    tpu.enqueue_indirect_dma source(%arg16 : memref<80x128xf32, #tpu.memory_space<vmem>>) target(%dma_start3A_140 : memref<10000x128xf32, #tpu.memory_space<vmem_shared>>) offsets(%arg12 : memref<80xi32, #tpu.memory_space<vmem>>) semaphore(%arg33 : memref<!tpu.dma_semaphore, #tpu.memory_space<semaphore_mem>>) {add = true}
    %dma_wait3A_141 = arith.constant 0 : i32
    %dma_wait3A_142 = arith.constant 0 : i32
    %dma_wait3A_143 = tpu.memref_slice %arg18[%dma_wait3A_141, %dma_wait3A_142] : memref<10000x128xf32, #tpu.memory_space<vmem_shared>> -> memref<10000x128xf32, #tpu.memory_space<vmem_shared>>
    tpu.wait_indirect_dma semaphore(%arg33 : memref<!tpu.dma_semaphore, #tpu.memory_space<semaphore_mem>>) src(%arg16 : memref<80x128xf32, #tpu.memory_space<vmem>>) dst(%dma_wait3A_143 : memref<10000x128xf32, #tpu.memory_space<vmem_shared>>)
    %dma_wait3A_144 = arith.constant 0 : i32
    %dma_wait3A_145 = arith.constant 0 : i32
    %dma_wait3A_146 = tpu.memref_slice %arg4[%dma_wait3A_144, %dma_wait3A_145] : memref<10000x128xf32, #tpu.memory_space<hbm>> -> memref<10000x128xf32, #tpu.memory_space<hbm>>
    tpu.wait_indirect_dma semaphore(%arg30 : memref<!tpu.dma_semaphore, #tpu.memory_space<semaphore_mem>>) src(%dma_wait3A_146 : memref<10000x128xf32, #tpu.memory_space<hbm>>) dst(%arg17 : memref<80x128xf32, #tpu.memory_space<vmem>>)
    %dma_start3A_147 = arith.constant 0 : i32
    %dma_start3A_148 = arith.constant 0 : i32
    %dma_start3A_149 = tpu.memref_slice %arg18[%dma_start3A_147, %dma_start3A_148] : memref<10000x128xf32, #tpu.memory_space<vmem_shared>> -> memref<10000x128xf32, #tpu.memory_space<vmem_shared>>
    tpu.enqueue_indirect_dma source(%arg17 : memref<80x128xf32, #tpu.memory_space<vmem>>) target(%dma_start3A_149 : memref<10000x128xf32, #tpu.memory_space<vmem_shared>>) offsets(%arg13 : memref<80xi32, #tpu.memory_space<vmem>>) semaphore(%arg34 : memref<!tpu.dma_semaphore, #tpu.memory_space<semaphore_mem>>) {add = true}
    %dma_wait3A_150 = arith.constant 0 : i32
    %dma_wait3A_151 = arith.constant 0 : i32
    %dma_wait3A_152 = tpu.memref_slice %arg18[%dma_wait3A_150, %dma_wait3A_151] : memref<10000x128xf32, #tpu.memory_space<vmem_shared>> -> memref<10000x128xf32, #tpu.memory_space<vmem_shared>>
    tpu.wait_indirect_dma semaphore(%arg34 : memref<!tpu.dma_semaphore, #tpu.memory_space<semaphore_mem>>) src(%arg17 : memref<80x128xf32, #tpu.memory_space<vmem>>) dst(%dma_wait3A_152 : memref<10000x128xf32, #tpu.memory_space<vmem_shared>>)
    %dma_wait3A_153 = arith.constant 0 : i32
    %dma_wait3A_154 = arith.constant 0 : i32
    %dma_wait3A_155 = tpu.memref_slice %arg4[%dma_wait3A_153, %dma_wait3A_154] : memref<10000x128xf32, #tpu.memory_space<hbm>> -> memref<10000x128xf32, #tpu.memory_space<hbm>>
    tpu.wait_indirect_dma semaphore(%arg27 : memref<!tpu.dma_semaphore, #tpu.memory_space<semaphore_mem>>) src(%dma_wait3A_155 : memref<10000x128xf32, #tpu.memory_space<hbm>>) dst(%arg14 : memref<80x128xf32, #tpu.memory_space<vmem>>)
    %dma_start3A_156 = arith.constant 0 : i32
    %dma_start3A_157 = arith.constant 0 : i32
    %dma_start3A_158 = tpu.memref_slice %arg18[%dma_start3A_156, %dma_start3A_157] : memref<10000x128xf32, #tpu.memory_space<vmem_shared>> -> memref<10000x128xf32, #tpu.memory_space<vmem_shared>>
    tpu.enqueue_indirect_dma source(%arg14 : memref<80x128xf32, #tpu.memory_space<vmem>>) target(%dma_start3A_158 : memref<10000x128xf32, #tpu.memory_space<vmem_shared>>) offsets(%arg10 : memref<80xi32, #tpu.memory_space<vmem>>) semaphore(%arg31 : memref<!tpu.dma_semaphore, #tpu.memory_space<semaphore_mem>>) {add = true}
    %dma_wait3A_159 = arith.constant 0 : i32
    %dma_wait3A_160 = arith.constant 0 : i32
    %dma_wait3A_161 = tpu.memref_slice %arg18[%dma_wait3A_159, %dma_wait3A_160] : memref<10000x128xf32, #tpu.memory_space<vmem_shared>> -> memref<10000x128xf32, #tpu.memory_space<vmem_shared>>
    tpu.wait_indirect_dma semaphore(%arg31 : memref<!tpu.dma_semaphore, #tpu.memory_space<semaphore_mem>>) src(%arg14 : memref<80x128xf32, #tpu.memory_space<vmem>>) dst(%dma_wait3A_161 : memref<10000x128xf32, #tpu.memory_space<vmem_shared>>)
    %barrier3A_162 = arith.constant 0 : index
    tpu.barrier barrier_id(%barrier3A_162)
    %while3A_163 = arith.constant 0 : i32
    %while3A_164 = arith.constant 0 : i32
    %while3A_165 = arith.subi %select_n3A, %while3A_163 : i32
    %while3A_166 = arith.addi %while3A_163, %while3A_165 : i32
    %while3A_167 = arith.constant 1 : i32
    %while3A_168 = arith.divsi %while3A_165, %while3A_167 : i32
    %while3A_169 = arith.muli %while3A_168, %while3A_167 : i32
    %while3A_170 = arith.addi %while3A_163, %while3A_169 : i32
    %while3A_171 = arith.constant 1 : i32
    %while3A_172 = scf.for %while3A_175 = %while3A_163 to %while3A_170 step %while3A_171 iter_args(%while3A_176 = %while3A_164) -> (i32)  : i32 {
      %mul3A_177 = arith.constant 16 : i32
      %mul3A_178 = arith.muli %while3A_175, %mul3A_177 : i32
      %add3A_179 = arith.addi %arg1, %mul3A_178 : i32
      %mul3A_180 = arith.constant 80 : i32
      %mul3A_181 = arith.muli %add3A_179, %mul3A_180 : i32
      %multiple_of3A_182 = tpu.assume_multiple %mul3A_181, 8 : i32
      "tpu.region"() ({
        %run_scoped3A = tpu.sem_alloc : memref<!tpu.dma_semaphore, #tpu.memory_space<semaphore_mem>>
        %dma_start3A_184 = arith.constant 0 : i32
        %dma_start3A_185 = tpu.memref_slice %arg5[%arg0, %multiple_of3A_182, %dma_start3A_184] : memref<2x10000x128xf32, #tpu.memory_space<hbm>> -> memref<1x80x128xf32, #tpu.memory_space<hbm>>
        %dma_start3A_186 = tpu.memref_squeeze %dma_start3A_185 : memref<1x80x128xf32, #tpu.memory_space<hbm>> -> memref<80x128xf32, #tpu.memory_space<hbm>>
        %dma_start3A_187 = arith.constant 0 : i32
        %dma_start3A_188 = tpu.memref_slice %arg18[%multiple_of3A_182, %dma_start3A_187] : memref<10000x128xf32, #tpu.memory_space<vmem_shared>> -> memref<80x128xf32, #tpu.memory_space<vmem_shared>>
        tpu.enqueue_dma source(%dma_start3A_188 : memref<80x128xf32, #tpu.memory_space<vmem_shared>>) target(%dma_start3A_186 : memref<80x128xf32, #tpu.memory_space<hbm>>) target_semaphore(%run_scoped3A : memref<!tpu.dma_semaphore, #tpu.memory_space<semaphore_mem>>)
        %dma_wait3A_189 = arith.constant 0 : i32
        %dma_wait3A_190 = tpu.memref_slice %arg5[%arg0, %multiple_of3A_182, %dma_wait3A_189] : memref<2x10000x128xf32, #tpu.memory_space<hbm>> -> memref<1x80x128xf32, #tpu.memory_space<hbm>>
        %dma_wait3A_191 = tpu.memref_squeeze %dma_wait3A_190 : memref<1x80x128xf32, #tpu.memory_space<hbm>> -> memref<80x128xf32, #tpu.memory_space<hbm>>
        %dma_wait3A_192 = arith.constant 0 : i32
        %dma_wait3A_193 = tpu.memref_slice %arg18[%multiple_of3A_182, %dma_wait3A_192] : memref<10000x128xf32, #tpu.memory_space<vmem_shared>> -> memref<80x128xf32, #tpu.memory_space<vmem_shared>>
        tpu.wait_dma2 semaphore(%run_scoped3A : memref<!tpu.dma_semaphore, #tpu.memory_space<semaphore_mem>>) src(%dma_wait3A_193 : memref<80x128xf32, #tpu.memory_space<vmem_shared>>) dst(%dma_wait3A_191 : memref<80x128xf32, #tpu.memory_space<hbm>>)
        tpu.yield
      }) : () -> ()
      %while3A_183 = arith.constant 0 : i32
      scf.yield %while3A_183 : i32
    }
    %while3A_173 = arith.constant 1 : i32
    %while3A_174 = scf.for %while3A_175 = %while3A_170 to %while3A_166 step %while3A_173 iter_args(%while3A_176 = %while3A_172) -> (i32)  : i32 {
      %mul3A_177 = arith.constant 16 : i32
      %mul3A_178 = arith.muli %while3A_175, %mul3A_177 : i32
      %add3A_179 = arith.addi %arg1, %mul3A_178 : i32
      %mul3A_180 = arith.constant 80 : i32
      %mul3A_181 = arith.muli %add3A_179, %mul3A_180 : i32
      %multiple_of3A_182 = tpu.assume_multiple %mul3A_181, 8 : i32
      "tpu.region"() ({
        %run_scoped3A = tpu.sem_alloc : memref<!tpu.dma_semaphore, #tpu.memory_space<semaphore_mem>>
        %dma_start3A_184 = arith.constant 0 : i32
        %dma_start3A_185 = tpu.memref_slice %arg5[%arg0, %multiple_of3A_182, %dma_start3A_184] : memref<2x10000x128xf32, #tpu.memory_space<hbm>> -> memref<1x80x128xf32, #tpu.memory_space<hbm>>
        %dma_start3A_186 = tpu.memref_squeeze %dma_start3A_185 : memref<1x80x128xf32, #tpu.memory_space<hbm>> -> memref<80x128xf32, #tpu.memory_space<hbm>>
        %dma_start3A_187 = arith.constant 0 : i32
        %dma_start3A_188 = tpu.memref_slice %arg18[%multiple_of3A_182, %dma_start3A_187] : memref<10000x128xf32, #tpu.memory_space<vmem_shared>> -> memref<80x128xf32, #tpu.memory_space<vmem_shared>>
        tpu.enqueue_dma source(%dma_start3A_188 : memref<80x128xf32, #tpu.memory_space<vmem_shared>>) target(%dma_start3A_186 : memref<80x128xf32, #tpu.memory_space<hbm>>) target_semaphore(%run_scoped3A : memref<!tpu.dma_semaphore, #tpu.memory_space<semaphore_mem>>)
        %dma_wait3A_189 = arith.constant 0 : i32
        %dma_wait3A_190 = tpu.memref_slice %arg5[%arg0, %multiple_of3A_182, %dma_wait3A_189] : memref<2x10000x128xf32, #tpu.memory_space<hbm>> -> memref<1x80x128xf32, #tpu.memory_space<hbm>>
        %dma_wait3A_191 = tpu.memref_squeeze %dma_wait3A_190 : memref<1x80x128xf32, #tpu.memory_space<hbm>> -> memref<80x128xf32, #tpu.memory_space<hbm>>
        %dma_wait3A_192 = arith.constant 0 : i32
        %dma_wait3A_193 = tpu.memref_slice %arg18[%multiple_of3A_182, %dma_wait3A_192] : memref<10000x128xf32, #tpu.memory_space<vmem_shared>> -> memref<80x128xf32, #tpu.memory_space<vmem_shared>>
        tpu.wait_dma2 semaphore(%run_scoped3A : memref<!tpu.dma_semaphore, #tpu.memory_space<semaphore_mem>>) src(%dma_wait3A_193 : memref<80x128xf32, #tpu.memory_space<vmem_shared>>) dst(%dma_wait3A_191 : memref<80x128xf32, #tpu.memory_space<hbm>>)
        tpu.yield
      }) : () -> ()
      %while3A_183 = arith.constant 0 : i32
      scf.yield %while3A_183 : i32
    }
    return
  }
}

module attributes {stable_mosaic.version = 14 : i64} {
  func.func @_finish_body(%arg0: i32, %arg1: memref<2x1000x128xf32, #tpu.memory_space<vmem>>, %arg2: memref<1000x128xf32, #tpu.memory_space<vmem>>, %arg3: memref<128x128xf32, #tpu.memory_space<vmem>>, %arg4: memref<1x1xf32, #tpu.memory_space<smem>>, %arg5: memref<128x128xf32, #tpu.memory_space<vmem>>, %arg6: memref<1x128xf32, #tpu.memory_space<vmem>>, %arg7: memref<1000x128xf32, #tpu.memory_space<vmem>>) attributes {dimension_semantics = [#tpu.dimension_semantics<arbitrary>], iteration_bounds = array<i64: 10>, scalar_prefetch = 0 : i64, scratch_operands = 0 : i64, tpu.core_type = #tpu.core_type<tc>, window_params = [{transform_indices = @transform_0, window_bounds = array<i64: 2, 1000, 128>}, {transform_indices = @transform_1, window_bounds = array<i64: 1000, 128>}, {pipeline_mode = #tpu.pipeline_mode<synchronous>, transform_indices = @transform_2, window_bounds = array<i64: 128, 128>}, {transform_indices = @transform_3, window_bounds = array<i64: 1, 1>}, {pipeline_mode = #tpu.pipeline_mode<synchronous>, transform_indices = @transform_4, window_bounds = array<i64: 128, 128>}, {pipeline_mode = #tpu.pipeline_mode<synchronous>, transform_indices = @transform_5, window_bounds = array<i64: 1, 128>}, {transform_indices = @transform_6, window_bounds = array<i64: 1000, 128>}]} {
    %get3A = arith.constant 0 : index
    %get3A_0 = arith.constant 0 : index
    %get3A_1 = arith.constant 0 : index
    %get3A_2 = vector.load %arg1[%get3A, %get3A_0, %get3A_1] : memref<2x1000x128xf32, #tpu.memory_space<vmem>>, vector<1x1000x128xf32>
    %get3A_3 = vector.shape_cast %get3A_2 : vector<1x1000x128xf32> to vector<1000x128xf32>
    %get3A_4 = arith.constant 1 : index
    %get3A_5 = arith.constant 0 : index
    %get3A_6 = arith.constant 0 : index
    %get3A_7 = vector.load %arg1[%get3A_4, %get3A_5, %get3A_6] : memref<2x1000x128xf32, #tpu.memory_space<vmem>>, vector<1x1000x128xf32>
    %get3A_8 = vector.shape_cast %get3A_7 : vector<1x1000x128xf32> to vector<1000x128xf32>
    %add3A = arith.addf %get3A_3, %get3A_8 : vector<1000x128xf32>
    %get3A_9 = arith.constant 0 : index
    %get3A_10 = arith.constant 0 : index
    %get3A_11 = vector.load %arg3[%get3A_9, %get3A_10] : memref<128x128xf32, #tpu.memory_space<vmem>>, vector<128x128xf32>
    %get3A_12 = arith.constant 0 : index
    %get3A_13 = arith.constant 0 : index
    %get3A_14 = memref.load %arg4[%get3A_12, %get3A_13] : memref<1x1xf32, #tpu.memory_space<smem>>
    %mul3A = vector.broadcast %get3A_14 : f32 to vector<128x128xf32>
    %mul3A_15 = arith.mulf %get3A_11, %mul3A : vector<128x128xf32>
    %dot_general3A = arith.constant dense<0.000000e+00> : vector<1000x128xf32>
    %dot_general3A_16 = tpu.matmul %add3A, %mul3A_15, %dot_general3A {dimension_numbers = #tpu.dot_dimension_numbers<[1], [0], [0], [1], [0, 0, 1, 1], [], []>, precision = #tpu.contract_precision<fp32>, transpose_lhs_hint = false} : vector<1000x128xf32>, vector<128x128xf32>, vector<1000x128xf32> -> vector<1000x128xf32>
    %get3A_17 = arith.constant 0 : index
    %get3A_18 = arith.constant 0 : index
    %get3A_19 = vector.load %arg2[%get3A_17, %get3A_18] : memref<1000x128xf32, #tpu.memory_space<vmem>>, vector<1000x128xf32>
    %get3A_20 = arith.constant 0 : index
    %get3A_21 = arith.constant 0 : index
    %get3A_22 = vector.load %arg5[%get3A_20, %get3A_21] : memref<128x128xf32, #tpu.memory_space<vmem>>, vector<128x128xf32>
    %dot_general3A_23 = arith.constant dense<0.000000e+00> : vector<1000x128xf32>
    %dot_general3A_24 = tpu.matmul %get3A_19, %get3A_22, %dot_general3A_23 {dimension_numbers = #tpu.dot_dimension_numbers<[1], [0], [0], [1], [0, 0, 1, 1], [], []>, precision = #tpu.contract_precision<fp32>, transpose_lhs_hint = false} : vector<1000x128xf32>, vector<128x128xf32>, vector<1000x128xf32> -> vector<1000x128xf32>
    %add3A_25 = arith.addf %dot_general3A_16, %dot_general3A_24 : vector<1000x128xf32>
    %get3A_26 = arith.constant 0 : index
    %get3A_27 = arith.constant 0 : index
    %get3A_28 = vector.load %arg6[%get3A_26, %get3A_27] : memref<1x128xf32, #tpu.memory_space<vmem>>, vector<1x128xf32>
    %add3A_29 = vector.broadcast %get3A_28 : vector<1x128xf32> to vector<1000x128xf32>
    %add3A_30 = arith.addf %add3A_25, %add3A_29 : vector<1000x128xf32>
    %swap3A = arith.constant 0 : index
    %swap3A_31 = arith.constant 0 : index
    %swap3A_32 = vector.load %arg7[%swap3A, %swap3A_31] : memref<1000x128xf32, #tpu.memory_space<vmem>>, vector<1000x128xf32>
    tpu.vector_store %arg7[%swap3A, %swap3A_31], %add3A_30 {strides = array<i32>} : memref<1000x128xf32, #tpu.memory_space<vmem>>, vector<1000x128xf32>,
    return
  }
  func.func @transform_0(%arg0: i32) -> (i32, i32, i32) {
    %c0_i32 = arith.constant 0 : i32
    %c0_i32_0 = arith.constant 0 : i32
    %c0_i32_1 = arith.constant 0 : i32
    return %c0_i32, %arg0, %c0_i32_0 : i32, i32, i32
  }
  func.func @transform_1(%arg0: i32) -> (i32, i32) {
    %c0_i32 = arith.constant 0 : i32
    %c0_i32_0 = arith.constant 0 : i32
    return %arg0, %c0_i32 : i32, i32
  }
  func.func @transform_2(%arg0: i32) -> (i32, i32) {
    %c0_i32 = arith.constant 0 : i32
    %c0_i32_0 = arith.constant 0 : i32
    %c0_i32_1 = arith.constant 0 : i32
    return %c0_i32, %c0_i32_0 : i32, i32
  }
  func.func @transform_3(%arg0: i32) -> (i32, i32) {
    %c0_i32 = arith.constant 0 : i32
    %c0_i32_0 = arith.constant 0 : i32
    %c0_i32_1 = arith.constant 0 : i32
    return %c0_i32, %c0_i32_0 : i32, i32
  }
  func.func @transform_4(%arg0: i32) -> (i32, i32) {
    %c0_i32 = arith.constant 0 : i32
    %c0_i32_0 = arith.constant 0 : i32
    %c0_i32_1 = arith.constant 0 : i32
    return %c0_i32, %c0_i32_0 : i32, i32
  }
  func.func @transform_5(%arg0: i32) -> (i32, i32) {
    %c0_i32 = arith.constant 0 : i32
    %c0_i32_0 = arith.constant 0 : i32
    %c0_i32_1 = arith.constant 0 : i32
    return %c0_i32, %c0_i32_0 : i32, i32
  }
  func.func @transform_6(%arg0: i32) -> (i32, i32) {
    %c0_i32 = arith.constant 0 : i32
    %c0_i32_0 = arith.constant 0 : i32
    return %arg0, %c0_i32 : i32, i32
  }
}

</mosaic_0001>

<sc_bundles>
// kernel: kernel.4.cloned.1.call-start
scs
__scs_entry_jumppad:
0x0: {  	(pc) =	sbr.rel $0x88, $3  }
0x1: {  	(tag) =	ssettag $0x0;
	lr =	simm.s32 $0x1  }
0x2: {  	[smem:$0x3F9B] =	sst lr;
	_ =	strace $0xD0000000  }
0x3: {  	_ = 	snop  }
0x4: {  	_ = 	snop  }
0x5: {  	_ = 	snop  }
0x6: {  	_ = 	snop  }
0x7: {  	_ = 	snop  }
__scs_overlays_trampoline_lowered:
0x8: {  	[smem:$0x3FAA] =	sst s0  }
0x9: {  	[smem:$0x3FAB] =	sst s1  }
0xa: {  	[smem:$0x3FAC] =	sst s2  }
0xb: {  	[smem:$0x3FAD] =	sst s3  }
0xc: {  	[smem:$0x3FAE] =	sst s4  }
0xd: {  	[smem:$0x3FAF] =	sst s5  }
0xe: {  	[smem:$0x3FB0] =	sst s6  }
0xf: {  	[smem:$0x3FB1] =	sst s7  }
0x10: {  	[smem:$0x3FB2] =	sst s8  }
0x11: {  	[smem:$0x3FB3] =	sst s9;
	s0 =	simm.s32 @!p0 $0x0  }
0x12: {  	s1 =	sld [smem:$0x3F99];
	s0 =	simm.s32 @p0 $0x1  }
0x13: {  	[smem:$0x3FB4] =	sst s0;
	s0 =	simm.s32 @!p1 $0x0  }
0x14: {  	s2 =	sld [smem:$0x3F98];
	s0 =	simm.s32 @p1 $0x1  }
0x15: {  	[smem:$0x3FB5] =	sst s0;
	s0 =	simm.s32 @!p2 $0x0  }
0x16: {  	s3 =	sld [smem:$0x3FDB];
	s0 =	simm.s32 @p2 $0x1  }
0x17: {  	s4 =	simm.s32 $0x1BF5;
	[smem:$0x3FB7] =	sst s0  }
0x18: {  	s0 =	sld [smem:$0x3F9A];
	_ =	swait.ge [sflag:s4], $0x0  }
0x19: {  	s7 =	sld [smem:$0x3F9B]  }
0x1a: {  	s8 =	sadd.s32 $0xFFFFE003, lr  }
0x1b: {  	s9 =	sadd.s32 $0xFFFFFEF7, lr;
	s5 =	simm.s32 $0xFFFFFFFF;
	p2 =	slt.u32 s8, $0xFFFFF086  }
0x1c: {  	p1 =	slt.u32 s9, $0xF7A;
	s5 =	simm.s32 @!p2 $0x0  }
0x1d: {  	s5 =	simm.s32 @p1 $0x1;
	p0 =	seq.s32 s7, s2  }
0x1e: {  	s7 =	smul.u32 @!p0 $0xF7A, s2;
	p2 =	seq.s32 @!p0 s5, $0x0  }
0x1f: {  	s9 =	smul.u32 $0xF7A, s1;
	s8 =	simm.s32 @!p0 $0x1BF5;
	p2 =	por !p2, p0  }
0x20: {  	[sflag:s8] =	ssyncset.s32 @!p0 $0xFFFFF086;
	s6 =	sadd.s32 @!p0 s3, s7;
	s7 =	simm.s32 @!p0 $0x108  }
0x21: {  	s3 =	sadd.s32 s3, s9;
	s6 =	sadd.s32 @!p0 $0x88, s6;
	s7 =	simm.s32 @p2 $0x1082  }
0x22: {  	[simem:s7], [sflag:s8] =	dma.local @!p0 [hbm:s6], $0xF7A  }
0x23: {  	s9 =	sor.u32 $0xD0000000, s2;
	s6 =	simm.s32 $0x108;
	_ =	swait.ge @!p0 [sflag:s8], $0x0  }
0x24: {  	s3 =	sadd.s32 $0x88, s3;
	s6 =	simm.s32 @!p1 $0x1082;
	[sflag:s4] =	ssyncset.s32 $0xFFFFF086  }
0x25: {  	[simem:s6], [sflag:s4] =	dma.local [hbm:s3], $0xF7A  }
0x26: {  	[smem:$0x3F9B] =	sst s1;
	(tag) =	ssettag s2;
	_ =	strace s9  }
0x27: {  	s1 =	sld [smem:$0x3FAB]  }
0x28: {  	s2 =	sld [smem:$0x3FAC]  }
0x29: {  	s4 =	sld [smem:$0x3FAE]  }
0x2a: {  	p0 =	seq.s32 s5, $0x0;
	s5 =	sld [smem:$0x3FAF]  }
0x2b: {  	s6 =	sld [smem:$0x3FB0]  }
0x2c: {  	s7 =	sld [smem:$0x3FB1]  }
0x2d: {  	s3 =	simm.s32 $0x108;
	s8 =	sld [smem:$0x3FB2]  }
0x2e: {  	s3 =	simm.s32 @!p0 $0x1082;
	s9 =	sld [smem:$0x3FB3]  }
0x2f: {  	lr =	sadd.s32 s0, s3;
	s0 =	sld [smem:$0x3FAA]  }
0x30: {  	s3 =	sld [smem:$0x3FAD]  }
0x31: {  	[smem:$0x3FB6] =	sst s10  }
0x32: {  	s10 =	sld [smem:$0x3FB4];
	_ =	sdelay $0x3  }
0x33: {  	p0 =	seq.s32 s10, $0x1;
	s10 =	sld [smem:$0x3FB6];
	_ =	sdelay $0x3  }
0x34: {  	[smem:$0x3FB6] =	sst s10  }
0x35: {  	s10 =	sld [smem:$0x3FB5];
	_ =	sdelay $0x3  }
0x36: {  	p1 =	seq.s32 s10, $0x1;
	s10 =	sld [smem:$0x3FB6];
	_ =	sdelay $0x3  }
0x37: {  	[smem:$0x3FB6] =	sst s10  }
0x38: {  	s10 =	sld [smem:$0x3FB7]  }
0x39: {  	_ = 	snop;
	(pc) =	sbr.ind lr, $3  }
0x3a: {  	_ = 	snop  }
0x3b: {  	_ = 	snop  }
0x3c: {  	p2 =	seq.s32 s10, $0x1;
	s10 =	sld [smem:$0x3FB6]  }
0x3d: {  	_ =	shalt  }
0x3e: {  	_ =	shalt  }
0x3f: {  	_ =	shalt  }
0x40: {  	_ =	shalt  }
0x41: {  	_ =	shalt  }
0x42: {  	_ =	shalt  }
0x43: {  	_ =	shalt  }
0x44: {  	_ =	shalt  }
0x45: {  	_ =	shalt  }
0x46: {  	_ =	shalt  }
0x47: {  	_ =	shalt  }
0x48: {  	_ =	shalt  }
0x49: {  	_ =	shalt  }
0x4a: {  	_ =	shalt  }
0x4b: {  	_ =	shalt  }
0x4c: {  	_ =	shalt  }
0x4d: {  	_ =	shalt  }
0x4e: {  	_ =	shalt  }
0x4f: {  	_ =	shalt  }
0x50: {  	_ =	shalt  }
0x51: {  	_ =	shalt  }
0x52: {  	_ =	shalt  }
0x53: {  	_ =	shalt  }
0x54: {  	_ =	shalt  }
0x55: {  	_ =	shalt  }
0x56: {  	_ =	shalt  }
0x57: {  	_ =	shalt  }
0x58: {  	_ =	shalt  }
0x59: {  	_ =	shalt  }
0x5a: {  	_ =	shalt  }
0x5b: {  	_ =	shalt  }
0x5c: {  	_ =	shalt  }
0x5d: {  	_ =	shalt  }
0x5e: {  	_ =	shalt  }
0x5f: {  	_ =	shalt  }
0x60: {  	_ =	shalt  }
0x61: {  	_ =	shalt  }
0x62: {  	_ =	shalt  }
0x63: {  	_ =	shalt  }
0x64: {  	_ =	shalt  }
0x65: {  	_ =	shalt  }
0x66: {  	_ =	shalt  }
0x67: {  	_ =	shalt  }
0x68: {  	_ =	shalt  }
0x69: {  	_ =	shalt  }
0x6a: {  	_ =	shalt  }
0x6b: {  	_ =	shalt  }
0x6c: {  	_ =	shalt  }
0x6d: {  	_ =	shalt  }
0x6e: {  	_ =	shalt  }
0x6f: {  	_ =	shalt  }
0x70: {  	_ =	shalt  }
0x71: {  	_ =	shalt  }
0x72: {  	_ =	shalt  }
0x73: {  	_ =	shalt  }
0x74: {  	_ =	shalt  }
0x75: {  	_ =	shalt  }
0x76: {  	_ =	shalt  }
0x77: {  	_ =	shalt  }
0x78: {  	_ =	shalt  }
0x79: {  	_ =	shalt  }
0x7a: {  	_ =	shalt  }
0x7b: {  	_ =	shalt  }
0x7c: {  	_ =	shalt  }
0x7d: {  	_ =	shalt  }
0x7e: {  	_ =	shalt  }
0x7f: {  	_ =	shalt  }
0x80: {  	_ =	shalt  }
0x81: {  	_ =	shalt  }
0x82: {  	_ =	shalt  }
0x83: {  	_ =	shalt  }
0x84: {  	_ =	shalt  }
0x85: {  	_ =	shalt  }
0x86: {  	_ =	shalt  }
0x87: {  	_ =	shalt  }
.Lfunc_end0:
.L_simem_size_0:
called_computation_lowered:
.L_overlay_start_0:
0x88: {  	s2 =	sld [smem:$0x3FD9]  }
0x89: {  	s3 =	sld [smem:$0x3FFE];
	_ =	sdelay $0x1  }
0x8a: {  	s1 =	srdreg.scid  }
0x8b: {  	s0 =	sand.u32 $0x1, s1  }
0x8c: {  	s17 =	sshll.u32 s0, $0xA;
	s2 =	sadd.s32 s3, s2  }
0x8d: {  	s2 =	sadd.s32 s2, s17  }
0x8e: {  	[smem:$0x3FC2] =	sst s2  }
0x8f: {  	_ = 	snop  }
0x90: {  	s2 =	sld [smem:$0x3FC9]  }
0x91: {  	s18 =	sld [smem:$0x3FD0];
	(tm) =	ssettm $0x1  }
0x92: {  	s4 =	sld [smem:$0x3FFB];
	_ =	sdelay $0x3  }
0x93: {  	_ =	strace s4  }
0x94: {  	s4 =	sld [smem:$0x3FFC];
	_ =	sdelay $0x3  }
0x95: {  	_ =	strace s4  }
0x96: {  	s4 =	sld [smem:$0x3FFD];
	_ =	sdelay $0x3  }
0x97: {  	_ =	strace s4  }
0x98: {  	_ =	strace $0x8FFFFFFF  }
0x99: {  	s19 =	sld [smem:$0x3FDB];
	_ =	sdelay $0x1  }
0x9a: {  	s5 =	simm.s32 $_scs_section_size  }
0x9b: {  	s6 =	simm.s32 $_size__tile_overlayer_lowered;
	s7 =	simm.s32 $_tile_overlayer_lowered  }
0x9c: {  	s22 =	simm.s32 $0x1BFF;
	s21 =	sshll.u32 s7, $0x1;
	s4 =	sadd.s32 s5, s19  }
0x9d: {  	s8 =	simm.s32 $0x0;
	s20 =	sshll.u32 s6, $0x1;
	s6 =	sadd.s32 s21, s4  }
0x9e: {  	[timem:s8], [sflag:s22] =	dma.local [hbm:s6], s20  }
0x9f: {  	_ =	swait.ge [sflag:s22], s20  }
0xa0: {  	s5 =	ssub.s32 $0x0, s20;
	[sflag:s22] =	ssyncset.done $0x0  }
0xa1: {  	[sflag:s22] =	ssyncadd.s32 s5;
	_ =	sdelay $0x1  }
0xa2: {  	s23 =	simm.s32 $0x1B8B  }
0xa3: {  	_ =	swait.ge [sflag:s23], $0x1  }
0xa4: {  	[sflag:s23] =	ssyncset.done $0x0  }
0xa5: {  	s25 =	simm.s32 $0x1B8E;
	s24 =	sld [smem:$0x3FFE];
	[sflag:s23] =	ssyncadd.s32 $0xFFFFFFFF  }
0xa6: {  	s26 =	simm.s32 $execute0_lowered;
	[smem:$0x3FD2] =	sst s25  }
0xa7: {  	s6 =	sshll.u32 s26, $0x1;
	_ =	strace $0x80000046;
	[dreg:$0x1] =	wrdreg $0xFFFFFFFF  }
0xa8: {  	s28 =	simm.s32 $_size_execute0_lowered;
	s4 =	sadd.s32 s4, s6;
	[dreg:$0x0] =	wrdreg $0x0  }
0xa9: {  	s6 =	sshll.u32 s28, $0x1;
	[dreg:$0x2] =	wrdreg s4  }
0xaa: {  	[dreg:$0x3] =	wrdreg s6  }
0xab: {  	[dreg:$0x4] =	wrdreg $0xC0  }
0xac: {  	_ =	task [dreg:s8], $0x5FFFF  }
0xad: {  	[dreg:$0x1] =	wrdreg $0xFFFFFFFF  }
0xae: {  	[dreg:$0x0] =	wrdreg $0x60  }
0xaf: {  	[dreg:$0x2] =	wrdreg s24  }
0xb0: {  	[dreg:$0x3] =	wrdreg s18  }
0xb1: {  	[dreg:$0x4] =	wrdreg s2  }
0xb2: {  	[dreg:$0x5] =	wrdreg $0xA4000  }
0xb3: {  	[dreg:$0x6] =	wrdreg $0x9  }
0xb4: {  	_ =	task.clear_ibuf [dreg:s8], $0x7FFFF;
	_ =	strace $0x90000046  }
0xb5: {  	s29 =	simm.s32 $0x9;
	_ =	strace $0x80000048  }
0xb6: {  	_ =	swait.ge [sflag:s29], $0x1  }
0xb7: {  	[sflag:s29] =	ssyncadd.s32 $0xFFFFFFFF  }
0xb8: {  	_ =	strace $0x90000048  }
0xb9: {  	_ =	sfence  }
0xba: {  	s30 =	sld [smem:$0x0];
	_ =	sdelay $0x2  }
0xbb: {  	s31 =	sshll.u32 s1, $0xD;
	s1 =	sshrl.u32 s1, $0x2  }
0xbc: {  	s3 =	sand.u32 $0x4000, s31;
	s1 =	sadd.s32 s1, s30  }
0xbd: {  	s0 =	sor.u32 s3, s0;
	s1 =	sshll.u32 s1, $0x11  }
0xbe: {  	s0 =	sor.u32 s1, s0  }
0xbf: {  	s0 =	sadd.s32 $0x8F2B, s0  }
0xc0: {  	[sflag:s0] =	ssyncadd.remote.s32 $0x1  }
0xc1: {  	_ =	sfence.sel $0xFFFF  }
0xc2: {  	[dreg:$0x0] =	wrdreg $0xFFFFFFFF;
	(pc) =	sbr.abs _section_cstart, $3  }
0xc3: {  	[dreg:$0x1] =	wrdreg $0xFFFFFFFF  }
0xc4: {  	_ =	task.clear_ibuf [dreg:s8], $0x2FFFF;
	_ =	strace $0x9FFFFFFF  }
0xc5: {  	(tm) =	ssettm $0x7FFFFFFF  }
tec
execute0_lowered:
.L_overlay_start_1:
0x0: {  	(tag) =	ssettag $0x1  }
0x1: {  	s0 =	rddreg [dreg:$0x0]  }
0x2: {  	s3 =	rddreg [dreg:$0x1]  }
0x3: {  	s24 =	rddreg [dreg:$0x2]  }
0x4: {  	s1 =	srdreg.scid;
	s4 =	rddreg [dreg:$0x3]  }
0x5: {  	s10 =	stileid.u32;
	s5 =	simm.s32 $0x0;
	s29 =	simm.s32 $0x80  }
0x6: {  	s30 =	simm.s32 $0x100;
	s31 =	simm.s32 $0x2;
	s1 =	sand.u32 $0x1, s1  }
0x7: {  	[smem:$0x7FF] =	sst s5;
	s28 =	sadd.s32 $0xC00, s0;
	s13 =	sadd.s32 $0xAA00, s0  }
0x8: {  	s9 =	smul.u32 $0x2710, s10;
	p0 =	slt.u32 s10, $0xD;
	s2 =	sshll.u32 s1, $0x4  }
0x9: {  	_ =	strace $0x80000047;
	s6 =	ssub.s32 $0x2, s1;
	s21 =	smul.u32 $0x27100, s1  }
0xa: {  	s1 =	smul.u32 $0x138800, s1;
	[dreg:$0xc] =	wrdreg s13;
	s2 =	sor.u32 s10, s2  }
0xb: {  	s7 =	sshrl.u32 s6, $0x1;
	s2 =	smul.u32 $0x2710, s2;
	s26 =	sadd.s32 s9, s21  }
0xc: {  	[dreg:$0xb] =	wrdreg s28;
	s0 =	ssub.s32 s6, s7;
	s7 =	sadd.s32 $0x230, s26  }
0xd: {  	s12 =	sadd.s32 $0x1E0, s26;
	s0 =	smax.u32 s0, $0x1;
	s2 =	sshrl.u32 s2, $0x3  }
0xe: {  	s7 =	sshrl.u32 s7, $0x3;
	[dreg:$0x18] =	wrdreg s0;
	s17 =	sadd.s32 s28, s2  }
0xf: {  	s15 =	sshrl.u32 s12, $0x3;
	s18 =	sadd.s32 s3, s2;
	[dreg:$0xd] =	wrdreg s17  }
0x10: {  	s12 =	simm.s32 $0x1;
	s11 =	sadd.s32 s7, s3;
	[dreg:$0xe] =	wrdreg s18  }
0x11: {  	s16 =	sadd.s32 $0xA, s2;
	s14 =	sadd.s32 s7, s28;
	[dreg:$0x5] =	wrdreg s11  }
0x12: {  	s0 =	simm.s32 $0xD;
	s19 =	sadd.s32 s28, s16;
	[dreg:$0x6] =	wrdreg s14  }
0x13: {  	s20 =	sadd.s32 $0x14, s2;
	s6 =	sadd.s32 s3, s16;
	[dreg:$0xf] =	wrdreg s19  }
0x14: {  	s22 =	sadd.s32 $0x1E, s2;
	s8 =	sadd.s32 s28, s20;
	[dreg:$0x10] =	wrdreg s6  }
0x15: {  	s2 =	sadd.s32 $0x4D8, s2;
	s23 =	sadd.s32 s28, s22;
	[dreg:$0x11] =	wrdreg s8  }
0x16: {  	s25 =	sadd.s32 s3, s22;
	s9 =	sadd.s32 s28, s2;
	[dreg:$0x13] =	wrdreg s23  }
0x17: {  	s2 =	sadd.s32 s3, s2;
	s16 =	sadd.s32 s15, s3;
	[dreg:$0x14] =	wrdreg s25  }
0x18: {  	s17 =	smul.u32 $0xA000, s10;
	s18 =	sadd.s32 $0x190, s26;
	[dreg:$0x16] =	wrdreg s9  }
0x19: {  	s11 =	simm.s32 $0x400;
	s14 =	simm.s32 $0x5;
	[dreg:$0x17] =	wrdreg s2  }
0x1a: {  	s6 =	sadd.s32 s3, s20;
	s8 =	simm.s32 $0x8;
	[dreg:$0x7] =	wrdreg s16  }
0x1b: {  	s19 =	sadd.s32 s15, s28;
	s2 =	sshrl.u32 s18, $0x3;
	s23 =	smul.u32 $0x2800, s10  }
0x1c: {  	s25 =	sadd.s32 $0x140, s26;
	s18 =	simm.s32 $0x200;
	s9 =	simm.s32 $0x180  }
0x1d: {  	s16 =	simm.s32 $0x380;
	s10 =	simm.s32 $0x50;
	s15 =	simm.s32 $0x6  }
0x1e: {  	[dreg:$0x12] =	wrdreg s6;
	s8 =	simm.s32 @!p0 $0x7;
	s20 =	sshrl.u32 s17, $0x2  }
0x1f: {  	[dreg:$0x8] =	wrdreg s19;
	s21 =	sadd.s32 s2, s3;
	s22 =	sadd.s32 s2, s28  }
0x20: {  	[dreg:$0x1a] =	wrdreg s25;
	s2 =	simm.s32 $0x11;
	s19 =	simm.s32 $0x3  }
0x21: {  	s6 =	simm.s32 $0x5400;
	s17 =	simm.s32 $0x9;
	[dreg:$0x15] =	wrdreg s8  }
0x22: {  	s8 =	smov.u32 s3;
	[dreg:$0x9] =	wrdreg s21;
	s7 =	sadd.s32 s20, s4  }
0x23: {  	[dreg:$0xa] =	wrdreg s22;
	s26 =	sadd.s32 s23, s1;
	s23 =	simm.s32 $0x280  }
0x24: {  	s1 =	simm.s32 $0x300;
	s20 =	simm.s32 $0x2C00;
	s22 =	simm.s32 $0x7  }
0x25: {  	s21 =	simm.s32 $0xA;
	s3 =	simm.s32 $0xE;
	[dreg:$0x19] =	wrdreg s7  }
0x26: {  	v0 =	vimm.f32 $0.0e+00;
	[dreg:$0x1b] =	wrdreg s26;
	s7 =	simm.s32 $0x4;
	s26 =	simm.s32 $0x0  }
.LBB2_1:
0x27: {  	[dreg:$0x1c] =	wrdreg s26  }
0x28: {  	s25 =	rddreg [dreg:$0xd]  }
0x29: {  	[tilespmem:s5], [sflag:$0x1] =	stream.linear.gather [hbm4b:s25+s5], $0x50, $0x38;
	[tilespmem:$0x1DC80] =	vst v63  }
0x2a: {  	s26 =	rddreg [dreg:$0xe]  }
0x2b: {  	[tilespmem:s18], [sflag:$0x5] =	stream.linear.gather [hbm4b:s26+s5], $0x50, $0x38;
	[tilespmem:$0x1DC80] =	vst v63  }
0x2c: {  	s13 =	rddreg [dreg:$0xf]  }
0x2d: {  	[tilespmem:s29], [sflag:$0x2] =	stream.linear.gather [hbm4b:s13+s5], $0x50, $0x38;
	[tilespmem:$0x1DC80] =	vst v63  }
0x2e: {  	s18 =	rddreg [dreg:$0x10]  }
0x2f: {  	[tilespmem:s23], [sflag:$0x6] =	stream.linear.gather [hbm4b:s18+s5], $0x50, $0x38;
	[tilespmem:$0x1DC80] =	vst v63  }
0x30: {  	s26 =	rddreg [dreg:$0x11]  }
0x31: {  	[tilespmem:s30], [sflag:$0x3] =	stream.linear.gather [hbm4b:s26+s5], $0x50, $0x38;
	[tilespmem:$0x1DC80] =	vst v63  }
0x32: {  	s13 =	rddreg [dreg:$0x12]  }
0x33: {  	[tilespmem:s1], [sflag:$0x7] =	stream.linear.gather [hbm4b:s13+s5], $0x50, $0x38;
	[tilespmem:$0x1DC80] =	vst v63  }
0x34: {  	s18 =	rddreg [dreg:$0x13]  }
0x35: {  	[tilespmem:s9], [sflag:$0x4] =	stream.linear.gather [hbm4b:s18+s5], $0x50, $0x38;
	[tilespmem:$0x1DC80] =	vst v63  }
0x36: {  	s26 =	rddreg [dreg:$0x14]  }
0x37: {  	[tilespmem:s16], [sflag:$0x8] =	stream.linear.gather [hbm4b:s26+s5], $0x50, $0x38;
	[tilespmem:$0x1DC80] =	vst v63  }
0x38: {  	s25 =	simm.s32 $0x0;
	s26 =	simm.s32 $0x200  }
.LBB2_2:
0x39: {  	p0 =	sne.s32 s26, $0x9E00;
	[tilespmem:s25+$0x470] =	vst v0  }
0x3a: {  	[tilespmem:s25+$0x400] =	vst v0  }
0x3b: {  	[tilespmem:s25+$0x410] =	vst v0  }
.Ltmp0:
0x3c: {  	[tilespmem:s25+$0x420] =	vst v0;
	(pc) =	sbr.rel @p0 .LBB2_2-.Ltmp0, $4  }
0x3d: {  	[tilespmem:s25+$0x430] =	vst v0  }
0x3e: {  	[tilespmem:s25+$0x440] =	vst v0  }
0x3f: {  	[tilespmem:s25+$0x450] =	vst v0  }
0x40: {  	[tilespmem:s25+$0x460] =	vst v0;
	s25 =	sshra.s32 s26, $0x2;
	s26 =	sadd.s32 $0x200, s26  }
0x41: {  	[tilespmem:s25+$0x470] =	vst v0  }
0x42: {  	[tilespmem:s25+$0x400] =	vst v0  }
0x43: {  	[tilespmem:s25+$0x410] =	vst v0  }
0x44: {  	[tilespmem:s25+$0x420] =	vst v0  }
0x45: {  	[tilespmem:s25+$0x430] =	vst v0;
	s13 =	rddreg [dreg:$0x15]  }
0x46: {  	[tilespmem:s25+$0x440] =	vst v0;
	p0 =	sne.s32 s13, $0x1  }
.Ltmp1:
0x47: {  	[tilespmem:s25+$0x450] =	vst v0;
	(pc) =	sbr.rel @!p0 .LBB2_5-.Ltmp1, $4  }
0x48: {  	[tilespmem:s25+$0x460] =	vst v0;
	s26 =	rddreg [dreg:$0x19]  }
0x49: {  	[spmem:s26] =	stream.linear.scatter [tilespmem:s11], [sflag:$0x11], $0x2800, $0x38;
	[tilespmem:$0x1DC80] =	vst v63  }
0x4a: {  	_ =	swait.ge [sflag:s2], $0x2800  }
0x4b: {  	s18 =	simm.s32 $0x7C00;
	s25 =	sadd.s32 $0xFFFFFFFF, s13;
	[sflag:s2] =	ssyncset.done $0x0  }
.LBB2_4:
0x4c: {  	p1 =	sne.s32 s25, $0x1;
	[sflag:s2] =	ssyncadd.s32 $0xFFFFD800;
	s26 =	sadd.s32 $0x28000, s26  }
.Ltmp2:
0x4d: {  	s25 =	sadd.s32 $0xFFFFFFFF, s25;
	(pc) =	sbr.rel @p1 .LBB2_4-.Ltmp2, $4  }
0x4e: {  	_ = 	snop  }
0x4f: {  	[spmem:s26] =	stream.linear.scatter [tilespmem:s11], [sflag:$0x11], $0x2800, $0x38;
	[tilespmem:$0x1DC80] =	vst v63  }
0x50: {  	_ =	swait.ge [sflag:s2], $0x2800  }
0x51: {  	[sflag:s2] =	ssyncset.done $0x0  }
.LBB2_5:
0x52: {  	[sflag:s2] =	ssyncadd.s32 $0xFFFFD800  }
0x53: {  	[bflag:$0x0] =	sbarrier.arrive $0xFFFF  }
0x54: {  	_ =	swait.ge [sflag:s12], $0x50  }
0x55: {  	[sflag:s12] =	ssyncset.done $0x0  }
0x56: {  	[sflag:s12] =	ssyncadd.s32 $0xFFFFFFB0  }
0x57: {  	_ =	swait.ge [sflag:s14], $0x50  }
0x58: {  	[sflag:s14] =	ssyncset.done $0x0  }
0x59: {  	s25 =	simm.s32 $0x0;
	[sflag:s14] =	ssyncadd.s32 $0xFFFFFFB0  }
0x5a: {  	[tilespmem:s11], [sflag:$0x9] =	stream.indirect.gather [hbm4b:s24+s10], $0x80, s25, s10, $0xb8;
	[tilespmem:$0x1DC80] =	vst v63  }
0x5b: {  	_ =	swait.ge [sflag:s31], $0x50  }
0x5c: {  	[sflag:s31] =	ssyncset.done $0x0  }
0x5d: {  	[sflag:s31] =	ssyncadd.s32 $0xFFFFFFB0  }
0x5e: {  	_ =	swait.ge [sflag:s15], $0x50  }
0x5f: {  	[sflag:s15] =	ssyncset.done $0x0  }
0x60: {  	[sflag:s15] =	ssyncadd.s32 $0xFFFFFFB0  }
0x61: {  	[tilespmem:s20], [sflag:$0xA] =	stream.indirect.gather [hbm4b:s24+s10], $0x80, s29, s10, $0xb8;
	[tilespmem:$0x1DC80] =	vst v63  }
0x62: {  	_ =	swait.ge [sflag:s19], $0x50  }
0x63: {  	[sflag:s19] =	ssyncset.done $0x0  }
0x64: {  	[sflag:s19] =	ssyncadd.s32 $0xFFFFFFB0  }
0x65: {  	_ =	swait.ge [sflag:s22], $0x50  }
0x66: {  	[sflag:s22] =	ssyncset.done $0x0  }
0x67: {  	[sflag:s22] =	ssyncadd.s32 $0xFFFFFFB0  }
0x68: {  	[tilespmem:s6], [sflag:$0xB] =	stream.indirect.gather [hbm4b:s24+s10], $0x80, s30, s10, $0xb8;
	[tilespmem:$0x1DC80] =	vst v63  }
0x69: {  	_ =	swait.ge [sflag:s17], $0x2800  }
0x6a: {  	[sflag:s17] =	ssyncset.done $0x0  }
0x6b: {  	s2 =	simm.s32 $0x200;
	[sflag:s17] =	ssyncadd.s32 $0xFFFFD800  }
0x6c: {  	[spmem:s4] =	stream.indirect.scatter.add.f32 [tilespmem:s11], [sflag:$0xD], $0x80, s2, s10, $0xb8;
	[tilespmem:$0x1DC80] =	vst v63  }
0x6d: {  	_ =	swait.ge [sflag:s0], $0x2800  }
0x6e: {  	s13 =	rddreg [dreg:$0x1a]  }
0x6f: {  	[sflag:s0] =	ssyncset.done $0x0;
	s16 =	sshrl.u32 s13, $0x3  }
0x70: {  	[sflag:s0] =	ssyncadd.s32 $0xFFFFD800;
	s26 =	sadd.s32 s28, s16  }
0x71: {  	[tilespmem:s5], [sflag:$0x1] =	stream.linear.gather [hbm4b:s26+s5], $0x50, $0x38;
	[tilespmem:$0x1DC80] =	vst v63  }
0x72: {  	s25 =	sadd.s32 s8, s16  }
0x73: {  	[tilespmem:s2], [sflag:$0x5] =	stream.linear.gather [hbm4b:s25+s5], $0x50, $0x38;
	[tilespmem:$0x1DC80] =	vst v63  }
0x74: {  	_ =	swait.ge [sflag:s7], $0x50  }
0x75: {  	[sflag:s7] =	ssyncset.done $0x0  }
0x76: {  	s28 =	simm.s32 $0x8;
	[sflag:s7] =	ssyncadd.s32 $0xFFFFFFB0  }
0x77: {  	_ =	swait.ge [sflag:s28], $0x50  }
0x78: {  	[sflag:s28] =	ssyncset.done $0x0  }
0x79: {  	[sflag:s28] =	ssyncadd.s32 $0xFFFFFFB0  }
0x7a: {  	[tilespmem:s18], [sflag:$0xC] =	stream.indirect.gather [hbm4b:s24+s10], $0x80, s9, s10, $0xb8;
	[tilespmem:$0x1DC80] =	vst v63  }
0x7b: {  	_ =	swait.ge [sflag:s21], $0x2800  }
0x7c: {  	[sflag:s21] =	ssyncset.done $0x0  }
0x7d: {  	[sflag:s21] =	ssyncadd.s32 $0xFFFFD800  }
0x7e: {  	[spmem:s4] =	stream.indirect.scatter.add.f32 [tilespmem:s20], [sflag:$0xE], $0x80, s23, s10, $0xb8;
	[tilespmem:$0x1DC80] =	vst v63  }
0x7f: {  	_ =	swait.ge [sflag:s3], $0x2800  }
0x80: {  	s2 =	rddreg [dreg:$0xa];
	[sflag:s3] =	ssyncset.done $0x0  }
0x81: {  	s7 =	rddreg [dreg:$0x9];
	[sflag:s3] =	ssyncadd.s32 $0xFFFFD800;
	s25 =	sadd.s32 $0x0, s2  }
0x82: {  	[tilespmem:s29], [sflag:$0x2] =	stream.linear.gather [hbm4b:s25+s5], $0x50, $0x38;
	[tilespmem:$0x1DC80] =	vst v63  }
0x83: {  	s8 =	sadd.s32 $0x0, s7  }
0x84: {  	[tilespmem:s23], [sflag:$0x6] =	stream.linear.gather [hbm4b:s8+s5], $0x50, $0x38;
	[tilespmem:$0x1DC80] =	vst v63  }
0x85: {  	_ =	swait.ge [sflag:s12], $0x50  }
0x86: {  	[sflag:s12] =	ssyncset.done $0x0  }
0x87: {  	[sflag:s12] =	ssyncadd.s32 $0xFFFFFFB0  }
0x88: {  	_ =	swait.ge [sflag:s14], $0x50  }
0x89: {  	[sflag:s14] =	ssyncset.done $0x0  }
0x8a: {  	[sflag:s14] =	ssyncadd.s32 $0xFFFFFFB0  }
0x8b: {  	[tilespmem:s11], [sflag:$0x9] =	stream.indirect.gather [hbm4b:s24+s10], $0x80, s5, s10, $0xb8;
	[tilespmem:$0x1DC80] =	vst v63  }
0x8c: {  	s11 =	simm.s32 $0xB  }
0x8d: {  	_ =	swait.ge [sflag:s11], $0x2800  }
0x8e: {  	[sflag:s11] =	ssyncset.done $0x0  }
0x8f: {  	s12 =	simm.s32 $0xF;
	[sflag:s11] =	ssyncadd.s32 $0xFFFFD800  }
0x90: {  	[spmem:s4] =	stream.indirect.scatter.add.f32 [tilespmem:s6], [sflag:$0xF], $0x80, s1, s10, $0xb8;
	[tilespmem:$0x1DC80] =	vst v63  }
0x91: {  	_ =	swait.ge [sflag:s12], $0x2800  }
0x92: {  	s14 =	rddreg [dreg:$0x8];
	[sflag:s12] =	ssyncset.done $0x0  }
0x93: {  	s16 =	rddreg [dreg:$0x7];
	[sflag:s12] =	ssyncadd.s32 $0xFFFFD800;
	s25 =	sadd.s32 $0x0, s14  }
0x94: {  	[tilespmem:s30], [sflag:$0x3] =	stream.linear.gather [hbm4b:s25+s5], $0x50, $0x38;
	[tilespmem:$0x1DC80] =	vst v63  }
0x95: {  	s17 =	sadd.s32 $0x0, s16  }
0x96: {  	[tilespmem:s1], [sflag:$0x7] =	stream.linear.gather [hbm4b:s17+s5], $0x50, $0x38;
	[tilespmem:$0x1DC80] =	vst v63  }
0x97: {  	_ =	swait.ge [sflag:s31], $0x50  }
0x98: {  	[sflag:s31] =	ssyncset.done $0x0  }
0x99: {  	[sflag:s31] =	ssyncadd.s32 $0xFFFFFFB0  }
0x9a: {  	_ =	swait.ge [sflag:s15], $0x50  }
0x9b: {  	[sflag:s15] =	ssyncset.done $0x0  }
0x9c: {  	s21 =	simm.s32 $0xC;
	[sflag:s15] =	ssyncadd.s32 $0xFFFFFFB0  }
0x9d: {  	[tilespmem:s20], [sflag:$0xA] =	stream.indirect.gather [hbm4b:s24+s10], $0x80, s29, s10, $0xb8;
	[tilespmem:$0x1DC80] =	vst v63  }
0x9e: {  	_ =	swait.ge [sflag:s21], $0x2800  }
0x9f: {  	[sflag:s21] =	ssyncset.done $0x0  }
0xa0: {  	s28 =	simm.s32 $0x10;
	s23 =	simm.s32 $0x380;
	[sflag:s21] =	ssyncadd.s32 $0xFFFFD800  }
0xa1: {  	[spmem:s4] =	stream.indirect.scatter.add.f32 [tilespmem:s18], [sflag:$0x10], $0x80, s23, s10, $0xb8;
	[tilespmem:$0x1DC80] =	vst v63  }
0xa2: {  	_ =	swait.ge [sflag:s28], $0x2800  }
0xa3: {  	s29 =	rddreg [dreg:$0x6];
	[sflag:s28] =	ssyncset.done $0x0  }
0xa4: {  	s30 =	rddreg [dreg:$0x5];
	[sflag:s28] =	ssyncadd.s32 $0xFFFFD800;
	s25 =	sadd.s32 $0x0, s29  }
0xa5: {  	[tilespmem:s9], [sflag:$0x4] =	stream.linear.gather [hbm4b:s25+s5], $0x50, $0x38;
	[tilespmem:$0x1DC80] =	vst v63  }
0xa6: {  	s0 =	simm.s32 $0xD;
	s26 =	sadd.s32 $0x140, s13;
	s31 =	sadd.s32 $0x0, s30  }
0xa7: {  	[tilespmem:s23], [sflag:$0x8] =	stream.linear.gather [hbm4b:s31+s5], $0x50, $0x38;
	[tilespmem:$0x1DC80] =	vst v63  }
0xa8: {  	s7 =	simm.s32 $0x4;
	s3 =	simm.s32 $0xE;
	_ =	swait.ge [sflag:s19], $0x50  }
0xa9: {  	s12 =	simm.s32 $0x1;
	s14 =	simm.s32 $0x5;
	[sflag:s19] =	ssyncset.done $0x0  }
0xaa: {  	s1 =	simm.s32 $0x8;
	s17 =	simm.s32 $0x7;
	[sflag:s19] =	ssyncadd.s32 $0xFFFFFFB0  }
0xab: {  	s15 =	simm.s32 $0x2;
	s20 =	simm.s32 $0x3;
	_ =	swait.ge [sflag:s22], $0x50  }
0xac: {  	s21 =	simm.s32 $0x9;
	s18 =	simm.s32 $0xA;
	[sflag:s22] =	ssyncset.done $0x0  }
0xad: {  	s25 =	simm.s32 $0x28;
	s19 =	simm.s32 $0x6;
	[sflag:s22] =	ssyncadd.s32 $0xFFFFFFB0  }
.LBB2_6:
0xae: {  	s16 =	simm.s32 $0x5400;
	s11 =	simm.s32 $0x100  }
0xaf: {  	[tilespmem:s16], [sflag:$0xB] =	stream.indirect.gather [hbm4b:s24+s10], $0x80, s11, s10, $0xb8;
	[tilespmem:$0x1DC80] =	vst v63  }
0xb0: {  	_ =	swait.ge [sflag:s21], $0x2800  }
0xb1: {  	[sflag:s21] =	ssyncset.done $0x0  }
0xb2: {  	s22 =	simm.s32 $0x200;
	s9 =	simm.s32 $0x400;
	[sflag:s21] =	ssyncadd.s32 $0xFFFFD800  }
0xb3: {  	[spmem:s4] =	stream.indirect.scatter.add.f32 [tilespmem:s9], [sflag:$0xD], $0x80, s22, s10, $0xb8;
	[tilespmem:$0x1DC80] =	vst v63  }
0xb4: {  	_ =	swait.ge [sflag:s0], $0x2800  }
0xb5: {  	s29 =	sshrl.u32 s26, $0x3;
	[sflag:s0] =	ssyncset.done $0x0;
	s6 =	rddreg [dreg:$0xb]  }
0xb6: {  	[sflag:s0] =	ssyncadd.s32 $0xFFFFD800;
	s30 =	sadd.s32 s6, s29  }
0xb7: {  	[tilespmem:s5], [sflag:$0x1] =	stream.linear.gather [hbm4b:s30+s5], $0x50, $0x38;
	[tilespmem:$0x1DC80] =	vst v63  }
0xb8: {  	s23 =	rddreg [dreg:$0x1]  }
0xb9: {  	s29 =	sadd.s32 s23, s29  }
0xba: {  	[tilespmem:s22], [sflag:$0x5] =	stream.linear.gather [hbm4b:s29+s5], $0x50, $0x38;
	[tilespmem:$0x1DC80] =	vst v63  }
0xbb: {  	_ =	swait.ge [sflag:s7], $0x50  }
0xbc: {  	[sflag:s7] =	ssyncset.done $0x0  }
0xbd: {  	[sflag:s7] =	ssyncadd.s32 $0xFFFFFFB0  }
0xbe: {  	_ =	swait.ge [sflag:s1], $0x50  }
0xbf: {  	[sflag:s1] =	ssyncset.done $0x0  }
0xc0: {  	s23 =	simm.s32 $0x180;
	s22 =	simm.s32 $0x7C00;
	[sflag:s1] =	ssyncadd.s32 $0xFFFFFFB0  }
0xc1: {  	[tilespmem:s22], [sflag:$0xC] =	stream.indirect.gather [hbm4b:s24+s10], $0x80, s23, s10, $0xb8;
	[tilespmem:$0x1DC80] =	vst v63  }
0xc2: {  	_ =	swait.ge [sflag:s18], $0x2800  }
0xc3: {  	[sflag:s18] =	ssyncset.done $0x0  }
0xc4: {  	s13 =	simm.s32 $0x2C00;
	s8 =	simm.s32 $0x280;
	[sflag:s18] =	ssyncadd.s32 $0xFFFFD800  }
0xc5: {  	[spmem:s4] =	stream.indirect.scatter.add.f32 [tilespmem:s13], [sflag:$0xE], $0x80, s8, s10, $0xb8;
	[tilespmem:$0x1DC80] =	vst v63  }
0xc6: {  	_ =	swait.ge [sflag:s3], $0x2800  }
0xc7: {  	s2 =	rddreg [dreg:$0xa]  }
0xc8: {  	s28 =	smov.u32 s25;
	[sflag:s3] =	ssyncset.done $0x0;
	s6 =	rddreg [dreg:$0x9]  }
0xc9: {  	[sflag:s3] =	ssyncadd.s32 $0xFFFFD800;
	s29 =	sadd.s32 s28, s2;
	s2 =	simm.s32 $0x80  }
0xca: {  	[tilespmem:s2], [sflag:$0x2] =	stream.linear.gather [hbm4b:s29+s5], $0x50, $0x38;
	[tilespmem:$0x1DC80] =	vst v63  }
0xcb: {  	s30 =	sadd.s32 s28, s6  }
0xcc: {  	[tilespmem:s8], [sflag:$0x6] =	stream.linear.gather [hbm4b:s30+s5], $0x50, $0x38;
	[tilespmem:$0x1DC80] =	vst v63  }
0xcd: {  	_ =	swait.ge [sflag:s12], $0x50  }
0xce: {  	[sflag:s12] =	ssyncset.done $0x0  }
0xcf: {  	[sflag:s12] =	ssyncadd.s32 $0xFFFFFFB0  }
0xd0: {  	_ =	swait.ge [sflag:s14], $0x50  }
0xd1: {  	[sflag:s14] =	ssyncset.done $0x0  }
0xd2: {  	[sflag:s14] =	ssyncadd.s32 $0xFFFFFFB0  }
0xd3: {  	[tilespmem:s9], [sflag:$0x9] =	stream.indirect.gather [hbm4b:s24+s10], $0x80, s5, s10, $0xb8;
	[tilespmem:$0x1DC80] =	vst v63  }
0xd4: {  	s9 =	simm.s32 $0xB  }
0xd5: {  	_ =	swait.ge [sflag:s9], $0x2800  }
0xd6: {  	[sflag:s9] =	ssyncset.done $0x0  }
0xd7: {  	s8 =	simm.s32 $0xF;
	[sflag:s9] =	ssyncadd.s32 $0xFFFFD800;
	s9 =	simm.s32 $0x300  }
0xd8: {  	[spmem:s4] =	stream.indirect.scatter.add.f32 [tilespmem:s16], [sflag:$0xF], $0x80, s9, s10, $0xb8;
	[tilespmem:$0x1DC80] =	vst v63  }
0xd9: {  	_ =	swait.ge [sflag:s8], $0x2800  }
0xda: {  	s29 =	rddreg [dreg:$0x8];
	[sflag:s8] =	ssyncset.done $0x0  }
0xdb: {  	s16 =	rddreg [dreg:$0x7];
	[sflag:s8] =	ssyncadd.s32 $0xFFFFD800;
	s29 =	sadd.s32 s28, s29  }
0xdc: {  	[tilespmem:s11], [sflag:$0x3] =	stream.linear.gather [hbm4b:s29+s5], $0x50, $0x38;
	[tilespmem:$0x1DC80] =	vst v63  }
0xdd: {  	s11 =	sadd.s32 s28, s16  }
0xde: {  	[tilespmem:s9], [sflag:$0x7] =	stream.linear.gather [hbm4b:s11+s5], $0x50, $0x38;
	[tilespmem:$0x1DC80] =	vst v63  }
0xdf: {  	_ =	swait.ge [sflag:s15], $0x50  }
0xe0: {  	[sflag:s15] =	ssyncset.done $0x0  }
0xe1: {  	[sflag:s15] =	ssyncadd.s32 $0xFFFFFFB0  }
0xe2: {  	_ =	swait.ge [sflag:s19], $0x50  }
0xe3: {  	[sflag:s19] =	ssyncset.done $0x0  }
0xe4: {  	s30 =	simm.s32 $0xC;
	[sflag:s19] =	ssyncadd.s32 $0xFFFFFFB0  }
0xe5: {  	[tilespmem:s13], [sflag:$0xA] =	stream.indirect.gather [hbm4b:s24+s10], $0x80, s2, s10, $0xb8;
	[tilespmem:$0x1DC80] =	vst v63  }
0xe6: {  	_ =	swait.ge [sflag:s30], $0x2800  }
0xe7: {  	[sflag:s30] =	ssyncset.done $0x0  }
0xe8: {  	s9 =	simm.s32 $0x380;
	s2 =	simm.s32 $0x10;
	[sflag:s30] =	ssyncadd.s32 $0xFFFFD800  }
0xe9: {  	[spmem:s4] =	stream.indirect.scatter.add.f32 [tilespmem:s22], [sflag:$0x10], $0x80, s9, s10, $0xb8;
	[tilespmem:$0x1DC80] =	vst v63  }
0xea: {  	_ =	swait.ge [sflag:s2], $0x2800  }
0xeb: {  	s13 =	rddreg [dreg:$0x6];
	[sflag:s2] =	ssyncset.done $0x0  }
0xec: {  	s22 =	rddreg [dreg:$0x5];
	[sflag:s2] =	ssyncadd.s32 $0xFFFFD800;
	s29 =	sadd.s32 s28, s13  }
0xed: {  	[tilespmem:s23], [sflag:$0x4] =	stream.linear.gather [hbm4b:s29+s5], $0x50, $0x38;
	[tilespmem:$0x1DC80] =	vst v63  }
0xee: {  	s28 =	sadd.s32 s28, s22  }
0xef: {  	[tilespmem:s9], [sflag:$0x8] =	stream.linear.gather [hbm4b:s28+s5], $0x50, $0x38;
	[tilespmem:$0x1DC80] =	vst v63  }
0xf0: {  	p1 =	sne.s32 s25, $0x488;
	_ =	swait.ge [sflag:s20], $0x50  }
.Ltmp3:
0xf1: {  	[sflag:s20] =	ssyncset.done $0x0;
	(pc) =	sbr.rel @p1 .LBB2_6-.Ltmp3, $4  }
0xf2: {  	s25 =	sadd.s32 $0x28, s25;
	s31 =	simm.s32 $0x100;
	[sflag:s20] =	ssyncadd.s32 $0xFFFFFFB0  }
0xf3: {  	s26 =	sadd.s32 $0x140, s26;
	s6 =	simm.s32 $0x280;
	_ =	swait.ge [sflag:s17], $0x50  }
0xf4: {  	s8 =	simm.s32 $0x180;
	s16 =	simm.s32 $0x300;
	[sflag:s17] =	ssyncset.done $0x0  }
0xf5: {  	s11 =	simm.s32 $0x2C00;
	s22 =	simm.s32 $0x380;
	[sflag:s17] =	ssyncadd.s32 $0xFFFFFFB0  }
0xf6: {  	s17 =	simm.s32 $0x5400  }
0xf7: {  	[tilespmem:s17], [sflag:$0xB] =	stream.indirect.gather [hbm4b:s24+s10], $0x80, s31, s10, $0xb8;
	[tilespmem:$0x1DC80] =	vst v63  }
0xf8: {  	_ =	swait.ge [sflag:s21], $0x2800  }
0xf9: {  	[sflag:s21] =	ssyncset.done $0x0  }
0xfa: {  	s15 =	simm.s32 $0x200;
	s9 =	simm.s32 $0x400;
	[sflag:s21] =	ssyncadd.s32 $0xFFFFD800  }
0xfb: {  	[spmem:s4] =	stream.indirect.scatter.add.f32 [tilespmem:s9], [sflag:$0xD], $0x80, s15, s10, $0xb8;
	[tilespmem:$0x1DC80] =	vst v63  }
0xfc: {  	_ =	swait.ge [sflag:s0], $0x2800  }
0xfd: {  	[sflag:s0] =	ssyncset.done $0x0  }
0xfe: {  	s13 =	rddreg [dreg:$0x16];
	[sflag:s0] =	ssyncadd.s32 $0xFFFFD800  }
0xff: {  	[tilespmem:s5], [sflag:$0x1] =	stream.linear.gather [hbm4b:s13+s5], $0x50, $0x38;
	[tilespmem:$0x1DC80] =	vst v63  }
0x100: {  	s20 =	rddreg [dreg:$0x17]  }
0x101: {  	[tilespmem:s15], [sflag:$0x5] =	stream.linear.gather [hbm4b:s20+s5], $0x50, $0x38;
	[tilespmem:$0x1DC80] =	vst v63  }
0x102: {  	_ =	swait.ge [sflag:s7], $0x50  }
0x103: {  	[sflag:s7] =	ssyncset.done $0x0  }
0x104: {  	[sflag:s7] =	ssyncadd.s32 $0xFFFFFFB0  }
0x105: {  	_ =	swait.ge [sflag:s1], $0x50  }
0x106: {  	[sflag:s1] =	ssyncset.done $0x0  }
0x107: {  	s23 =	simm.s32 $0x7C00;
	[sflag:s1] =	ssyncadd.s32 $0xFFFFFFB0  }
0x108: {  	[tilespmem:s23], [sflag:$0xC] =	stream.indirect.gather [hbm4b:s24+s10], $0x80, s8, s10, $0xb8;
	[tilespmem:$0x1DC80] =	vst v63  }
0x109: {  	_ =	swait.ge [sflag:s18], $0x2800  }
0x10a: {  	[sflag:s18] =	ssyncset.done $0x0  }
0x10b: {  	[sflag:s18] =	ssyncadd.s32 $0xFFFFD800  }
0x10c: {  	[spmem:s4] =	stream.indirect.scatter.add.f32 [tilespmem:s11], [sflag:$0xE], $0x80, s6, s10, $0xb8;
	[tilespmem:$0x1DC80] =	vst v63  }
0x10d: {  	_ =	swait.ge [sflag:s3], $0x2800  }
0x10e: {  	[sflag:s3] =	ssyncset.done $0x0  }
0x10f: {  	[sflag:s3] =	ssyncadd.s32 $0xFFFFD800  }
0x110: {  	_ =	swait.ge [sflag:s12], $0x50  }
0x111: {  	[sflag:s12] =	ssyncset.done $0x0  }
0x112: {  	[sflag:s12] =	ssyncadd.s32 $0xFFFFFFB0  }
0x113: {  	_ =	swait.ge [sflag:s14], $0x50  }
0x114: {  	[sflag:s14] =	ssyncset.done $0x0  }
0x115: {  	s25 =	simm.s32 $0xB;
	[sflag:s14] =	ssyncadd.s32 $0xFFFFFFB0  }
0x116: {  	[tilespmem:s9], [sflag:$0x9] =	stream.indirect.gather [hbm4b:s24+s10], $0x80, s5, s10, $0xb8;
	[tilespmem:$0x1DC80] =	vst v63  }
0x117: {  	_ =	swait.ge [sflag:s25], $0x2800  }
0x118: {  	[sflag:s25] =	ssyncset.done $0x0  }
0x119: {  	s26 =	simm.s32 $0xF;
	[sflag:s25] =	ssyncadd.s32 $0xFFFFD800  }
0x11a: {  	[spmem:s4] =	stream.indirect.scatter.add.f32 [tilespmem:s17], [sflag:$0xF], $0x80, s16, s10, $0xb8;
	[tilespmem:$0x1DC80] =	vst v63  }
0x11b: {  	_ =	swait.ge [sflag:s26], $0x2800  }
0x11c: {  	[sflag:s26] =	ssyncset.done $0x0  }
0x11d: {  	s30 =	simm.s32 $0xC;
	[sflag:s26] =	ssyncadd.s32 $0xFFFFD800  }
0x11e: {  	_ =	swait.ge [sflag:s30], $0x2800  }
0x11f: {  	[sflag:s30] =	ssyncset.done $0x0  }
0x120: {  	s31 =	simm.s32 $0x10;
	[sflag:s30] =	ssyncadd.s32 $0xFFFFD800  }
0x121: {  	[spmem:s4] =	stream.indirect.scatter.add.f32 [tilespmem:s23], [sflag:$0x10], $0x80, s22, s10, $0xb8;
	[tilespmem:$0x1DC80] =	vst v63  }
0x122: {  	_ =	swait.ge [sflag:s31], $0x2800  }
0x123: {  	[sflag:s31] =	ssyncset.done $0x0  }
0x124: {  	[sflag:s31] =	ssyncadd.s32 $0xFFFFD800  }
0x125: {  	_ =	swait.ge [sflag:s21], $0x2800  }
0x126: {  	[sflag:s21] =	ssyncset.done $0x0  }
0x127: {  	[sflag:s21] =	ssyncadd.s32 $0xFFFFD800  }
0x128: {  	[spmem:s4] =	stream.indirect.scatter.add.f32 [tilespmem:s9], [sflag:$0xD], $0x80, s15, s10, $0xb8;
	[tilespmem:$0x1DC80] =	vst v63  }
0x129: {  	_ =	swait.ge [sflag:s0], $0x2800  }
0x12a: {  	[sflag:s0] =	ssyncset.done $0x0  }
0x12b: {  	s2 =	simm.s32 $0x11;
	s20 =	simm.s32 $0x2C00;
	[sflag:s0] =	ssyncadd.s32 $0xFFFFD800  }
0x12c: {  	s1 =	simm.s32 $0x300;
	s11 =	simm.s32 $0x400;
	[bflag:$0x0] =	sbarrier.arrive $0xFFFF  }
0x12d: {  	s3 =	simm.s32 $0xE;
	s25 =	stileid.u32;
	s30 =	rddreg [dreg:$0x1b]  }
0x12e: {  	s25 =	sshll.u32 s25, $0x6;
	s16 =	simm.s32 $0x380;
	s29 =	rddreg [dreg:$0x19]  }
.Ltmp4:
0x12f: {  	s13 =	rddreg [dreg:$0xc];
	s26 =	sshrl.u32 s30, $0x3;
	(pc) =	sbr.rel @!p0 .LBB2_9-.Ltmp4, $4  }
0x130: {  	s25 =	sor.u32 $0x1C11, s25;
	s28 =	sshrl.u32 s29, $0x3;
	s26 =	sadd.s32 s13, s26  }
0x131: {  	[hbm:s26], [sflag:s25] =	dma.local [spmem:s28], $0x500  }
0x132: {  	s17 =	simm.s32 $0x9;
	s23 =	simm.s32 $0x280;
	s26 =	rddreg [dreg:$0x15]  }
0x133: {  	s0 =	simm.s32 $0xD;
	s28 =	sadd.s32 $0x28000, s30;
	s26 =	sadd.s32 $0xFFFFFFFF, s26  }
.LBB2_8:
0x134: {  	_ =	swait.ge [sflag:s2], $0x500  }
0x135: {  	s29 =	sadd.s32 $0x28000, s29;
	s30 =	sshrl.u32 s28, $0x3;
	p0 =	sne.s32 s26, $0x1  }
.Ltmp5:
0x136: {  	s31 =	sshrl.u32 s29, $0x3;
	[sflag:s2] =	ssyncset.done $0x0;
	(pc) =	sbr.rel @p0 .LBB2_8-.Ltmp5, $4  }
0x137: {  	s30 =	sadd.s32 s13, s30;
	[sflag:s2] =	ssyncadd.s32 $0xFFFFFB00  }
0x138: {  	[hbm:s30], [sflag:s25] =	dma.local [spmem:s31], $0x500  }
0x139: {  	s26 =	sadd.s32 $0xFFFFFFFF, s26  }
0x13a: {  	s28 =	sadd.s32 $0x28000, s28  }
.LBB2_9:
0x13b: {  	_ =	swait.ge [sflag:s2], $0x500  }
0x13c: {  	s26 =	rddreg [dreg:$0x1c]  }
0x13d: {  	s18 =	simm.s32 $0x200;
	s25 =	rddreg [dreg:$0x18];
	s26 =	sadd.s32 $0x1, s26  }
0x13e: {  	s29 =	simm.s32 $0x80;
	s30 =	simm.s32 $0x100;
	p0 =	sne.s32 s26, s25  }
.Ltmp6:
0x13f: {  	s9 =	simm.s32 $0x180;
	s12 =	simm.s32 $0x1;
	(pc) =	sbr.rel @p0 .LBB2_1-.Ltmp6, $4  }
0x140: {  	s14 =	simm.s32 $0x5;
	s31 =	simm.s32 $0x2;
	s15 =	simm.s32 $0x6  }
0x141: {  	s19 =	simm.s32 $0x3;
	s22 =	simm.s32 $0x7;
	[sflag:s2] =	ssyncset.done $0x0  }
0x142: {  	s6 =	simm.s32 $0x5400;
	s28 =	rddreg [dreg:$0xb];
	[sflag:s2] =	ssyncadd.s32 $0xFFFFFB00  }
0x143: {  	s7 =	simm.s32 $0x4;
	s21 =	simm.s32 $0xA;
	s8 =	rddreg [dreg:$0x1]  }
0x144: {  	_ =	sfence.sel $0x180000  }
0x145: {  	[bflag:$0x0] =	sbarrier.arrive $0xFFFF  }
0x146: {  	_ =	strace $0x90000047  }
0x147: {  	s0 =	stileid.u32;
	[bflag:$0x2] =	sbarrier.arrive $0xFFFF  }
0x148: {  	p0 =	sne.s32 s0, $0x0;
	s0 =	rddreg [dreg:$0x4]  }
0x149: {  	s0 =	sadd.s32 @!p0 $0x100000, s0  }
0x14a: {  	[sflag:s0] =	ssyncadd.tile.s32 @!p0 $0x1;
	_ =	shalt  }
.Lfunc_end2:
_tile_overlayer_lowered:
.L_overlay_start_2:
0x14b: {  	(tag) =	ssettag $0x2  }
0x14c: {  	s0 =	rddreg [dreg:$0x0];
	s2 =	stileid.u32  }
0x14d: {  	s1 =	rddreg [dreg:$0x1];
	p0 =	sne.s32 s2, $0x0  }
0x14e: {  	s3 =	rddreg [dreg:$0x2];
	[bflag:$0x3] =	sbarrier.arrive $0xFFFF;
	s2 =	simm.s32 @!p0 $0x1C11  }
0x14f: {  	[timem:s3], [sflag:s2] =	dma.local @!p0 [hbm:s0], s1  }
0x150: {  	s0 =	simm.s32 @!p0 $0x11  }
0x151: {  	_ =	swait.ge @!p0 [sflag:s0], s1  }
0x152: {  	s1 =	ssub.s32 @!p0 $0x0, s1;
	[sflag:s0] =	ssyncset.done @!p0 $0x0  }
0x153: {  	[sflag:s0] =	ssyncadd.s32 @!p0 s1  }
0x154: {  	[bflag:$0x3] =	sbarrier.arrive $0xFFFF  }
0x155: {  	_ =	shalt  }

</sc_bundles>
